<compile_context>
chip_gen: v7x
topology: tpu7x:2x2x1
jax: 0.10.2.dev20260603
libtpu: 0.0.44.dev20260713+nightly
codegen_flags: <defaults>
</compile_context>

<pallas_src>
import functools

import jax
import jax.numpy as jnp
from jax import lax
from jax.experimental import pallas as pl
from jax.experimental.pallas import tpu as pltpu
from jax.experimental.pallas import tpu_sc as plsc

NC = 2
NS = 16
L = 16
NW = NC * NS

CH = 128
R = 512


def _deg_body(npad, ncht, ei_hbm, z_hbm, deg_hbm, idx, ones_v, isem,
              deg_sp):
    pers = npad // NS
    c = lax.axis_index("c")
    s = lax.axis_index("s")
    w = c * NS + s
    nfull = ncht // NW
    nrem = ncht - nfull * NW
    nch_w = nfull + jnp.where(w < nrem, 1, 0)

    def ibody(i, carry):
        ones_v[pl.ds(i * L, L)] = jnp.ones((L,), jnp.float32)
        return carry

    lax.fori_loop(0, CH // L, ibody, 0)
    pltpu.sync_copy(z_hbm.at[pl.ds(s * pers, pers)],
                    deg_sp.at[pl.ds(s * pers, pers)])
    plsc.subcore_barrier()

    for q in range(4):
        pltpu.async_copy(ei_hbm.at[:, pl.ds((q * NW + w) * CH, CH)],
                         idx.at[q], isem)

    def jbody(j, carry):
        ib = lax.rem(j, 4)
        pltpu.make_async_copy(ei_hbm.at[:, pl.ds((j * NW + w) * CH, CH)],
                              idx.at[ib], isem).wait()
        pltpu.sync_copy(ones_v, deg_sp.at[idx.at[ib, 1]], add=True)

        @pl.when(j + 4 < nch_w)
        def _():
            pltpu.async_copy(
                ei_hbm.at[:, pl.ds(((j + 4) * NW + w) * CH, CH)],
                idx.at[ib], isem)

        return carry

    lax.fori_loop(0, nch_w, jbody, 0)
    plsc.subcore_barrier()
    pltpu.sync_copy(deg_sp.at[pl.ds(s * pers, pers)],
                    deg_hbm.at[c, pl.ds(s * pers, pers)])


def _scatter_body(npad, ncht, d, x2_hbm, ei_hbm, z_hbm, agg_hbm,
                  idx, rows, isem, gsem, ssem, agg_sp):
    pers = npad // NS
    c = lax.axis_index("c")
    s = lax.axis_index("s")
    w = c * NS + s
    nfull = ncht // NW
    nrem = ncht - nfull * NW
    nch_w = nfull + jnp.where(w < nrem, 1, 0)

    pltpu.sync_copy(z_hbm.at[pl.ds(s * pers, pers)],
                    agg_sp.at[pl.ds(s * pers, pers)])
    plsc.subcore_barrier()

    pltpu.async_copy(ei_hbm.at[:, pl.ds(w * CH, CH)], idx.at[0],
                     isem).wait()
    pltpu.async_copy(x2_hbm.at[idx.at[0, 0]], rows.at[0], gsem)
    pltpu.async_copy(ei_hbm.at[:, pl.ds((NW + w) * CH, CH)], idx.at[1],
                     isem)

    def jbody(j, carry):
        b = lax.rem(j, 2)
        nb = 1 - b
        ib = lax.rem(j, 4)
        pltpu.make_async_copy(x2_hbm.at[idx.at[ib, 0]], rows.at[b],
                              gsem).wait()

        @pl.when(j >= 1)
        def _():
            pltpu.make_async_copy(rows.at[nb],
                                  agg_sp.at[idx.at[lax.rem(j + 3, 4), 1]],
                                  ssem).wait()

        pltpu.async_copy(rows.at[b], agg_sp.at[idx.at[ib, 1]], ssem,
                         add=True)

        @pl.when(j + 1 < nch_w)
        def _():
            nib = lax.rem(j + 1, 4)
            pltpu.make_async_copy(
                ei_hbm.at[:, pl.ds(((j + 1) * NW + w) * CH, CH)],
                idx.at[nib], isem).wait()
            pltpu.async_copy(x2_hbm.at[idx.at[nib, 0]], rows.at[nb], gsem)

        @pl.when(j + 2 < nch_w)
        def _():
            pltpu.async_copy(
                ei_hbm.at[:, pl.ds(((j + 2) * NW + w) * CH, CH)],
                idx.at[lax.rem(j + 2, 4)], isem)

        return carry

    lax.fori_loop(0, nch_w, jbody, 0)
    pltpu.make_async_copy(rows.at[lax.rem(nch_w - 1, 2)],
                          agg_sp.at[idx.at[lax.rem(nch_w - 1, 4), 1]],
                          ssem).wait()
    plsc.subcore_barrier()
    pltpu.sync_copy(agg_sp.at[pl.ds(s * pers, pers)],
                    agg_hbm.at[c, pl.ds(s * pers, pers)])


def _scale_body(x_ref, deg_ref, o_ref):
    dg = deg_ref[...]
    dinv = lax.rsqrt(dg[0:1, :] + dg[1:2, :] + 1.0)
    o_ref[...] = x_ref[...] * jnp.transpose(dinv)


def _final_body(agg_ref, x2_ref, deg_ref, w_ref, b_ref, o_ref):
    dg = deg_ref[...]
    dinv = lax.rsqrt(dg[0:1, :] + dg[1:2, :] + 1.0)
    pre = (agg_ref[0] + agg_ref[1] + x2_ref[...]) * jnp.transpose(dinv)
    o_ref[...] = (jnp.dot(pre, w_ref[...], preferred_element_type=jnp.float32)
                  + b_ref[...])


@jax.jit
def kernel(x, edge_index, W, b):
    n, d = x.shape
    e = edge_index.shape[1]
    assert e % CH == 0
    ncht = e // CH
    npad = ((n + NS * L - 1) // (NS * L)) * (NS * L)

    z1 = jnp.zeros((npad,), jnp.float32)
    z2 = jnp.zeros((npad, d), jnp.float32)

    mesh = plsc.VectorSubcoreMesh(core_axis_name="c", subcore_axis_name="s")

    deg = pl.kernel(
        functools.partial(_deg_body, npad, ncht),
        out_type=jax.ShapeDtypeStruct((NC, npad), jnp.float32),
        mesh=mesh,
        scratch_types=[
            pltpu.VMEM((4, 2, CH), jnp.int32),
            pltpu.VMEM((CH,), jnp.float32),
            pltpu.SemaphoreType.DMA,
            pltpu.VMEM_SHARED((npad,), jnp.float32),
        ],
    )(edge_index, z1)

    nblk = npad // R
    x2 = pl.pallas_call(
        _scale_body,
        grid=(nblk,),
        in_specs=[
            pl.BlockSpec((R, d), lambda i: (i, 0)),
            pl.BlockSpec((NC, R), lambda i: (0, i)),
        ],
        out_specs=pl.BlockSpec((R, d), lambda i: (i, 0)),
        out_shape=jax.ShapeDtypeStruct((n, d), jnp.float32),
    )(x, deg)

    agg = pl.kernel(
        functools.partial(_scatter_body, npad, ncht, d),
        out_type=jax.ShapeDtypeStruct((NC, npad, d), jnp.float32),
        mesh=mesh,
        scratch_types=[
            pltpu.VMEM((4, 2, CH), jnp.int32),
            pltpu.VMEM((2, CH, d), jnp.float32),
            pltpu.SemaphoreType.DMA,
            pltpu.SemaphoreType.DMA,
            pltpu.SemaphoreType.DMA,
            pltpu.VMEM_SHARED((npad, d), jnp.float32),
        ],
    )(x2, edge_index, z2)

    out = pl.pallas_call(
        _final_body,
        grid=(nblk,),
        in_specs=[
            pl.BlockSpec((NC, R, d), lambda i: (0, i, 0)),
            pl.BlockSpec((R, d), lambda i: (i, 0)),
            pl.BlockSpec((NC, R), lambda i: (0, i)),
            pl.BlockSpec((d, d), lambda i: (0, 0)),
            pl.BlockSpec((1, d), lambda i: (0, 0)),
        ],
        out_specs=pl.BlockSpec((R, d), lambda i: (i, 0)),
        out_shape=jax.ShapeDtypeStruct((n, d), jnp.float32),
    )(agg, x2, deg, W, b.reshape(1, d))

    return out

# --- scband reference (transcript-rebuilt; emitter-appended) ---
"""Pipeline reference for scband-model-532575945204 (READ-ONLY COPY).

The authoritative reference and input builder live on the scoring server;
editing this copy changes nothing except your own understanding.
"""

import jax, jax.numpy as jnp
import numpy as np

N, E, D_IN, D_OUT = 10000, 320000, 128, 128

def setup_inputs(seed: int = 0):
    key = jax.random.key(seed)
    k1, k2, k3, k4 = jax.random.split(key, 4)
    x = jax.random.normal(k1, (N, D_IN), dtype=jnp.float32)
    edge_index = jax.random.randint(k2, (2, E), 0, N, dtype=jnp.int32)
    W = jax.random.normal(k3, (D_IN, D_OUT), dtype=jnp.float32) * (1.0 / np.sqrt(D_IN))
    b = jnp.zeros((D_OUT,), dtype=jnp.float32)
    return {"x": x, "edge_index": edge_index, "W": W, "b": b}

def reference(x, edge_index, W, b):
    # GCNConv-style message passing (gnn_type='gcn' path in the original model):
    # add self-loops, symmetric degree normalization, gather-scatter aggregation.
    n = x.shape[0]
    h = x @ W
    self_loops = jnp.arange(n, dtype=edge_index.dtype)
    src = jnp.concatenate([edge_index[0], self_loops])
    dst = jnp.concatenate([edge_index[1], self_loops])
    ones = jnp.ones(src.shape[0], dtype=h.dtype)
    deg = jax.ops.segment_sum(ones, dst, num_segments=n)
    deg_inv_sqrt = jnp.where(deg > 0, jax.lax.rsqrt(jnp.maximum(deg, 1e-12)), 0.0)
    norm = deg_inv_sqrt[src] * deg_inv_sqrt[dst]
    msgs = h[src] * norm[:, None]
    out = jax.ops.segment_sum(msgs, dst, num_segments=n)
    return out + b

if __name__ == "__main__":
    import jax
    _d = setup_inputs()
    print(jax.jit(kernel)(*tuple(_d.values())))

</pallas_src>

<mosaic_0001>
#map = affine_map<(d0, d1) -> (0, 0)>
#map1 = affine_map<(d0, d1) -> (0, 0, 0)>
module attributes {stable_mosaic.version = 14 : i64} {
  func.func @_scatter_body(%arg0: i32, %arg1: i32, %arg2: memref<10000x128xf32, #tpu.memory_space<hbm>>, %arg3: memref<2x320000xi32, #tpu.memory_space<hbm>>, %arg4: memref<10240x128xf32, #tpu.memory_space<hbm>>, %arg5: memref<2x10240x128xf32, #tpu.memory_space<hbm>>, %arg6: memref<4x2x128xi32, #tpu.memory_space<vmem>>, %arg7: memref<2x128x128xf32, #tpu.memory_space<vmem>>, %arg8: memref<!tpu.dma_semaphore, #tpu.memory_space<semaphore_mem>>, %arg9: memref<!tpu.dma_semaphore, #tpu.memory_space<semaphore_mem>>, %arg10: memref<!tpu.dma_semaphore, #tpu.memory_space<semaphore_mem>>, %arg11: memref<10240x128xf32, #tpu.memory_space<vmem_shared>>) attributes {dimension_semantics = [#tpu.dimension_semantics<core_parallel>, #tpu.dimension_semantics<subcore_parallel>], iteration_bounds = array<i64: 2, 16>, scalar_prefetch = 0 : i64, scratch_operands = 6 : i64, tpu.core_type = #tpu.core_type<sc_vector_subcore>, window_params = [{transform_indices = #map}, {transform_indices = #map}, {transform_indices = #map}, {transform_indices = #map1}]} {
    %mul3A = arith.constant 16 : i32
    %mul3A_0 = arith.muli %arg0, %mul3A : i32
    %add3A = arith.addi %mul3A_0, %arg1 : i32
    %lt3A = arith.constant 4 : i32
    %lt3A_1 = arith.cmpi slt, %add3A, %lt3A : i32
    %jit3A = arith.constant 1 : i32
    %jit3A_2 = arith.constant 0 : i32
    %select_n3A = arith.select %lt3A_1, %jit3A, %jit3A_2 : i32
    %add3A_3 = arith.constant 78 : i32
    %add3A_4 = arith.addi %add3A_3, %select_n3A : i32
    %mul3A_5 = arith.constant 640 : i32
    %mul3A_6 = arith.muli %arg1, %mul3A_5 : i32
    %mul3A_7 = arith.constant 640 : i32
    %mul3A_8 = arith.muli %arg1, %mul3A_7 : i32
    "tpu.region"() ({
      %run_scoped3A = tpu.sem_alloc : memref<!tpu.dma_semaphore, #tpu.memory_space<semaphore_mem>>
      %dma_start3A_96 = arith.constant 0 : i32
      %dma_start3A_97 = tpu.memref_slice %arg11[%mul3A_8, %dma_start3A_96] : memref<10240x128xf32, #tpu.memory_space<vmem_shared>> -> memref<640x128xf32, #tpu.memory_space<vmem_shared>>
      %dma_start3A_98 = arith.constant 0 : i32
      %dma_start3A_99 = tpu.memref_slice %arg4[%mul3A_6, %dma_start3A_98] : memref<10240x128xf32, #tpu.memory_space<hbm>> -> memref<640x128xf32, #tpu.memory_space<hbm>>
      tpu.enqueue_dma source(%dma_start3A_99 : memref<640x128xf32, #tpu.memory_space<hbm>>) target(%dma_start3A_97 : memref<640x128xf32, #tpu.memory_space<vmem_shared>>) target_semaphore(%run_scoped3A : memref<!tpu.dma_semaphore, #tpu.memory_space<semaphore_mem>>)
      %dma_wait3A_100 = arith.constant 0 : i32
      %dma_wait3A_101 = tpu.memref_slice %arg11[%mul3A_8, %dma_wait3A_100] : memref<10240x128xf32, #tpu.memory_space<vmem_shared>> -> memref<640x128xf32, #tpu.memory_space<vmem_shared>>
      %dma_wait3A_102 = arith.constant 0 : i32
      %dma_wait3A_103 = tpu.memref_slice %arg4[%mul3A_6, %dma_wait3A_102] : memref<10240x128xf32, #tpu.memory_space<hbm>> -> memref<640x128xf32, #tpu.memory_space<hbm>>
      tpu.wait_dma2 semaphore(%run_scoped3A : memref<!tpu.dma_semaphore, #tpu.memory_space<semaphore_mem>>) src(%dma_wait3A_103 : memref<640x128xf32, #tpu.memory_space<hbm>>) dst(%dma_wait3A_101 : memref<640x128xf32, #tpu.memory_space<vmem_shared>>)
      tpu.yield
    }) : () -> ()
    %barrier3A = arith.constant 0 : index
    tpu.barrier barrier_id(%barrier3A)
    %mul3A_9 = arith.constant 128 : i32
    %mul3A_10 = arith.muli %add3A, %mul3A_9 : i32
    %dma_start3A = arith.constant 0 : i32
    %dma_start3A_11 = arith.constant 0 : i32
    %dma_start3A_12 = arith.constant 0 : i32
    %dma_start3A_13 = tpu.memref_slice %arg6[%dma_start3A, %dma_start3A_11, %dma_start3A_12] : memref<4x2x128xi32, #tpu.memory_space<vmem>> -> memref<1x2x128xi32, #tpu.memory_space<vmem>>
    %dma_start3A_14 = tpu.memref_squeeze %dma_start3A_13 : memref<1x2x128xi32, #tpu.memory_space<vmem>> -> memref<2x128xi32, #tpu.memory_space<vmem>>
    %dma_start3A_15 = arith.constant 0 : i32
    %dma_start3A_16 = tpu.memref_slice %arg3[%dma_start3A_15, %mul3A_10] : memref<2x320000xi32, #tpu.memory_space<hbm>> -> memref<2x128xi32, #tpu.memory_space<hbm>>
    %dma_start3A_17 = arith.constant 0 : i32
    %dma_start3A_18 = arith.constant 0 : i32
    %dma_start3A_19 = tpu.memref_slice %arg6[%dma_start3A, %dma_start3A_17, %dma_start3A_18] : memref<4x2x128xi32, #tpu.memory_space<vmem>> -> memref<1x2x128xi32, #tpu.memory_space<vmem>>
    %dma_start3A_20 = tpu.memref_squeeze %dma_start3A_19 : memref<1x2x128xi32, #tpu.memory_space<vmem>> -> memref<2x128xi32, #tpu.memory_space<vmem>>
    %dma_start3A_21 = arith.constant 0 : i32
    %dma_start3A_22 = tpu.memref_slice %arg3[%dma_start3A_21, %mul3A_10] : memref<2x320000xi32, #tpu.memory_space<hbm>> -> memref<2x128xi32, #tpu.memory_space<hbm>>
    tpu.enqueue_dma source(%dma_start3A_22 : memref<2x128xi32, #tpu.memory_space<hbm>>) target(%dma_start3A_20 : memref<2x128xi32, #tpu.memory_space<vmem>>) target_semaphore(%arg8 : memref<!tpu.dma_semaphore, #tpu.memory_space<semaphore_mem>>)
    %dma_wait3A = arith.constant 0 : i32
    %dma_wait3A_23 = arith.constant 0 : i32
    %dma_wait3A_24 = arith.constant 0 : i32
    %dma_wait3A_25 = tpu.memref_slice %arg6[%dma_wait3A, %dma_wait3A_23, %dma_wait3A_24] : memref<4x2x128xi32, #tpu.memory_space<vmem>> -> memref<1x2x128xi32, #tpu.memory_space<vmem>>
    %dma_wait3A_26 = tpu.memref_squeeze %dma_wait3A_25 : memref<1x2x128xi32, #tpu.memory_space<vmem>> -> memref<2x128xi32, #tpu.memory_space<vmem>>
    %dma_wait3A_27 = arith.constant 0 : i32
    %dma_wait3A_28 = tpu.memref_slice %arg3[%dma_wait3A_27, %mul3A_10] : memref<2x320000xi32, #tpu.memory_space<hbm>> -> memref<2x128xi32, #tpu.memory_space<hbm>>
    %dma_wait3A_29 = arith.constant 0 : i32
    %dma_wait3A_30 = arith.constant 0 : i32
    %dma_wait3A_31 = tpu.memref_slice %arg6[%dma_wait3A, %dma_wait3A_29, %dma_wait3A_30] : memref<4x2x128xi32, #tpu.memory_space<vmem>> -> memref<1x2x128xi32, #tpu.memory_space<vmem>>
    %dma_wait3A_32 = tpu.memref_squeeze %dma_wait3A_31 : memref<1x2x128xi32, #tpu.memory_space<vmem>> -> memref<2x128xi32, #tpu.memory_space<vmem>>
    %dma_wait3A_33 = arith.constant 0 : i32
    %dma_wait3A_34 = tpu.memref_slice %arg3[%dma_wait3A_33, %mul3A_10] : memref<2x320000xi32, #tpu.memory_space<hbm>> -> memref<2x128xi32, #tpu.memory_space<hbm>>
    tpu.wait_dma2 semaphore(%arg8 : memref<!tpu.dma_semaphore, #tpu.memory_space<semaphore_mem>>) src(%dma_wait3A_34 : memref<2x128xi32, #tpu.memory_space<hbm>>) dst(%dma_wait3A_32 : memref<2x128xi32, #tpu.memory_space<vmem>>)
    %dma_start3A_35 = arith.constant 0 : i32
    %dma_start3A_36 = arith.constant 0 : i32
    %dma_start3A_37 = arith.constant 0 : i32
    %dma_start3A_38 = arith.constant 0 : i32
    %dma_start3A_39 = arith.constant 0 : i32
    %dma_start3A_40 = tpu.memref_slice %arg7[%dma_start3A_37, %dma_start3A_38, %dma_start3A_39] : memref<2x128x128xf32, #tpu.memory_space<vmem>> -> memref<1x128x128xf32, #tpu.memory_space<vmem>>
    %dma_start3A_41 = tpu.memref_squeeze %dma_start3A_40 : memref<1x128x128xf32, #tpu.memory_space<vmem>> -> memref<128x128xf32, #tpu.memory_space<vmem>>
    %dma_start3A_42 = arith.constant 0 : i32
    %dma_start3A_43 = tpu.memref_slice %arg6[%dma_start3A_35, %dma_start3A_36, %dma_start3A_42] : memref<4x2x128xi32, #tpu.memory_space<vmem>> -> memref<1x1x128xi32, #tpu.memory_space<vmem>>
    %dma_start3A_44 = tpu.memref_squeeze %dma_start3A_43 : memref<1x1x128xi32, #tpu.memory_space<vmem>> -> memref<128xi32, #tpu.memory_space<vmem>>
    %dma_start3A_45 = arith.constant 0 : i32
    %dma_start3A_46 = arith.constant 0 : i32
    %dma_start3A_47 = tpu.memref_slice %arg2[%dma_start3A_45, %dma_start3A_46] : memref<10000x128xf32, #tpu.memory_space<hbm>> -> memref<10000x128xf32, #tpu.memory_space<hbm>>
    tpu.enqueue_indirect_dma source(%dma_start3A_47 : memref<10000x128xf32, #tpu.memory_space<hbm>>) target(%dma_start3A_41 : memref<128x128xf32, #tpu.memory_space<vmem>>) offsets(%dma_start3A_44 : memref<128xi32, #tpu.memory_space<vmem>>) semaphore(%arg9 : memref<!tpu.dma_semaphore, #tpu.memory_space<semaphore_mem>>)
    %add3A_48 = arith.constant 32 : i32
    %add3A_49 = arith.addi %add3A_48, %add3A : i32
    %mul3A_50 = arith.constant 128 : i32
    %mul3A_51 = arith.muli %add3A_49, %mul3A_50 : i32
    %dma_start3A_52 = arith.constant 1 : i32
    %dma_start3A_53 = arith.constant 0 : i32
    %dma_start3A_54 = arith.constant 0 : i32
    %dma_start3A_55 = tpu.memref_slice %arg6[%dma_start3A_52, %dma_start3A_53, %dma_start3A_54] : memref<4x2x128xi32, #tpu.memory_space<vmem>> -> memref<1x2x128xi32, #tpu.memory_space<vmem>>
    %dma_start3A_56 = tpu.memref_squeeze %dma_start3A_55 : memref<1x2x128xi32, #tpu.memory_space<vmem>> -> memref<2x128xi32, #tpu.memory_space<vmem>>
    %dma_start3A_57 = arith.constant 0 : i32
    %dma_start3A_58 = tpu.memref_slice %arg3[%dma_start3A_57, %mul3A_51] : memref<2x320000xi32, #tpu.memory_space<hbm>> -> memref<2x128xi32, #tpu.memory_space<hbm>>
    %dma_start3A_59 = arith.constant 0 : i32
    %dma_start3A_60 = arith.constant 0 : i32
    %dma_start3A_61 = tpu.memref_slice %arg6[%dma_start3A_52, %dma_start3A_59, %dma_start3A_60] : memref<4x2x128xi32, #tpu.memory_space<vmem>> -> memref<1x2x128xi32, #tpu.memory_space<vmem>>
    %dma_start3A_62 = tpu.memref_squeeze %dma_start3A_61 : memref<1x2x128xi32, #tpu.memory_space<vmem>> -> memref<2x128xi32, #tpu.memory_space<vmem>>
    %dma_start3A_63 = arith.constant 0 : i32
    %dma_start3A_64 = tpu.memref_slice %arg3[%dma_start3A_63, %mul3A_51] : memref<2x320000xi32, #tpu.memory_space<hbm>> -> memref<2x128xi32, #tpu.memory_space<hbm>>
    tpu.enqueue_dma source(%dma_start3A_64 : memref<2x128xi32, #tpu.memory_space<hbm>>) target(%dma_start3A_62 : memref<2x128xi32, #tpu.memory_space<vmem>>) target_semaphore(%arg8 : memref<!tpu.dma_semaphore, #tpu.memory_space<semaphore_mem>>)
    %while3A = arith.constant 0 : i32
    %while3A_65 = arith.constant 0 : i32
    %while3A_66 = arith.subi %add3A_4, %while3A_65 : i32
    %while3A_67 = arith.addi %while3A_65, %while3A_66 : i32
    %while3A_68 = arith.constant 1 : i32
    %while3A_69 = arith.divsi %while3A_66, %while3A_68 : i32
    %while3A_70 = arith.muli %while3A_69, %while3A_68 : i32
    %while3A_71 = arith.addi %while3A_65, %while3A_70 : i32
    %while3A_72 = arith.constant 1 : i32
    scf.for %while3A_96 = %while3A_65 to %while3A_71 step %while3A_72  : i32 {
      %rem3A_97 = arith.constant 2 : i32
      %rem3A_98 = arith.remsi %while3A_96, %rem3A_97 : i32
      %sub3A_99 = arith.constant 1 : i32
      %sub3A_100 = arith.subi %sub3A_99, %rem3A_98 : i32
      %rem3A_101 = arith.constant 4 : i32
      %rem3A_102 = arith.remsi %while3A_96, %rem3A_101 : i32
      %dma_wait3A_103 = arith.constant 0 : i32
      %dma_wait3A_104 = arith.constant 0 : i32
      %dma_wait3A_105 = arith.constant 0 : i32
      %dma_wait3A_106 = tpu.memref_slice %arg7[%rem3A_98, %dma_wait3A_104, %dma_wait3A_105] : memref<2x128x128xf32, #tpu.memory_space<vmem>> -> memref<1x128x128xf32, #tpu.memory_space<vmem>>
      %dma_wait3A_107 = tpu.memref_squeeze %dma_wait3A_106 : memref<1x128x128xf32, #tpu.memory_space<vmem>> -> memref<128x128xf32, #tpu.memory_space<vmem>>
      %dma_wait3A_108 = arith.constant 0 : i32
      %dma_wait3A_109 = tpu.memref_slice %arg6[%rem3A_102, %dma_wait3A_103, %dma_wait3A_108] : memref<4x2x128xi32, #tpu.memory_space<vmem>> -> memref<1x1x128xi32, #tpu.memory_space<vmem>>
      %dma_wait3A_110 = tpu.memref_squeeze %dma_wait3A_109 : memref<1x1x128xi32, #tpu.memory_space<vmem>> -> memref<128xi32, #tpu.memory_space<vmem>>
      %dma_wait3A_111 = arith.constant 0 : i32
      %dma_wait3A_112 = arith.constant 0 : i32
      %dma_wait3A_113 = tpu.memref_slice %arg2[%dma_wait3A_111, %dma_wait3A_112] : memref<10000x128xf32, #tpu.memory_space<hbm>> -> memref<10000x128xf32, #tpu.memory_space<hbm>>
      tpu.wait_indirect_dma semaphore(%arg9 : memref<!tpu.dma_semaphore, #tpu.memory_space<semaphore_mem>>) src(%dma_wait3A_113 : memref<10000x128xf32, #tpu.memory_space<hbm>>) dst(%dma_wait3A_107 : memref<128x128xf32, #tpu.memory_space<vmem>>)
      %ge3A = arith.constant 1 : i32
      %ge3A_114 = arith.cmpi sge, %while3A_96, %ge3A : i32
      %convert_element_type3A = arith.extui %ge3A_114 : i1 to i32
      %cond3A = arith.constant 0 : i32
      %cond3A_115 = arith.cmpi ne, %convert_element_type3A, %cond3A : i32
      scf.if %cond3A_115 {
        %add3A_139 = arith.constant 3 : i32
        %add3A_140 = arith.addi %while3A_96, %add3A_139 : i32
        %rem3A_141 = arith.constant 4 : i32
        %rem3A_142 = arith.remsi %add3A_140, %rem3A_141 : i32
        %dma_wait3A_143 = arith.constant 1 : i32
        %dma_wait3A_144 = arith.constant 0 : i32
        %dma_wait3A_145 = arith.constant 0 : i32
        %dma_wait3A_146 = tpu.memref_slice %arg7[%sub3A_100, %dma_wait3A_144, %dma_wait3A_145] : memref<2x128x128xf32, #tpu.memory_space<vmem>> -> memref<1x128x128xf32, #tpu.memory_space<vmem>>
        %dma_wait3A_147 = tpu.memref_squeeze %dma_wait3A_146 : memref<1x128x128xf32, #tpu.memory_space<vmem>> -> memref<128x128xf32, #tpu.memory_space<vmem>>
        %dma_wait3A_148 = arith.constant 0 : i32
        %dma_wait3A_149 = tpu.memref_slice %arg6[%rem3A_142, %dma_wait3A_143, %dma_wait3A_148] : memref<4x2x128xi32, #tpu.memory_space<vmem>> -> memref<1x1x128xi32, #tpu.memory_space<vmem>>
        %dma_wait3A_150 = tpu.memref_squeeze %dma_wait3A_149 : memref<1x1x128xi32, #tpu.memory_space<vmem>> -> memref<128xi32, #tpu.memory_space<vmem>>
        %dma_wait3A_151 = arith.constant 0 : i32
        %dma_wait3A_152 = arith.constant 0 : i32
        %dma_wait3A_153 = tpu.memref_slice %arg11[%dma_wait3A_151, %dma_wait3A_152] : memref<10240x128xf32, #tpu.memory_space<vmem_shared>> -> memref<10240x128xf32, #tpu.memory_space<vmem_shared>>
        tpu.wait_indirect_dma semaphore(%arg10 : memref<!tpu.dma_semaphore, #tpu.memory_space<semaphore_mem>>) src(%dma_wait3A_147 : memref<128x128xf32, #tpu.memory_space<vmem>>) dst(%dma_wait3A_153 : memref<10240x128xf32, #tpu.memory_space<vmem_shared>>)
      } else {
      }
      %dma_start3A_116 = arith.constant 1 : i32
      %dma_start3A_117 = arith.constant 0 : i32
      %dma_start3A_118 = arith.constant 0 : i32
      %dma_start3A_119 = tpu.memref_slice %arg7[%rem3A_98, %dma_start3A_117, %dma_start3A_118] : memref<2x128x128xf32, #tpu.memory_space<vmem>> -> memref<1x128x128xf32, #tpu.memory_space<vmem>>
      %dma_start3A_120 = tpu.memref_squeeze %dma_start3A_119 : memref<1x128x128xf32, #tpu.memory_space<vmem>> -> memref<128x128xf32, #tpu.memory_space<vmem>>
      %dma_start3A_121 = arith.constant 0 : i32
      %dma_start3A_122 = tpu.memref_slice %arg6[%rem3A_102, %dma_start3A_116, %dma_start3A_121] : memref<4x2x128xi32, #tpu.memory_space<vmem>> -> memref<1x1x128xi32, #tpu.memory_space<vmem>>
      %dma_start3A_123 = tpu.memref_squeeze %dma_start3A_122 : memref<1x1x128xi32, #tpu.memory_space<vmem>> -> memref<128xi32, #tpu.memory_space<vmem>>
      %dma_start3A_124 = arith.constant 0 : i32
      %dma_start3A_125 = arith.constant 0 : i32
      %dma_start3A_126 = tpu.memref_slice %arg11[%dma_start3A_124, %dma_start3A_125] : memref<10240x128xf32, #tpu.memory_space<vmem_shared>> -> memref<10240x128xf32, #tpu.memory_space<vmem_shared>>
      tpu.enqueue_indirect_dma source(%dma_start3A_120 : memref<128x128xf32, #tpu.memory_space<vmem>>) target(%dma_start3A_126 : memref<10240x128xf32, #tpu.memory_space<vmem_shared>>) offsets(%dma_start3A_123 : memref<128xi32, #tpu.memory_space<vmem>>) semaphore(%arg10 : memref<!tpu.dma_semaphore, #tpu.memory_space<semaphore_mem>>) {add = true}
      %add3A_127 = arith.constant 1 : i32
      %add3A_128 = arith.addi %while3A_96, %add3A_127 : i32
      %lt3A_129 = arith.cmpi slt, %add3A_128, %add3A_4 : i32
      %convert_element_type3A_130 = arith.extui %lt3A_129 : i1 to i32
      %cond3A_131 = arith.constant 0 : i32
      %cond3A_132 = arith.cmpi ne, %convert_element_type3A_130, %cond3A_131 : i32
      scf.if %cond3A_132 {
        %add3A_139 = arith.constant 1 : i32
        %add3A_140 = arith.addi %while3A_96, %add3A_139 : i32
        %rem3A_141 = arith.constant 4 : i32
        %rem3A_142 = arith.remsi %add3A_140, %rem3A_141 : i32
        %add3A_143 = arith.constant 1 : i32
        %add3A_144 = arith.addi %while3A_96, %add3A_143 : i32
        %mul3A_145 = arith.constant 32 : i32
        %mul3A_146 = arith.muli %add3A_144, %mul3A_145 : i32
        %add3A_147 = arith.addi %mul3A_146, %add3A : i32
        %mul3A_148 = arith.constant 128 : i32
        %mul3A_149 = arith.muli %add3A_147, %mul3A_148 : i32
        %dma_wait3A_150 = arith.constant 0 : i32
        %dma_wait3A_151 = arith.constant 0 : i32
        %dma_wait3A_152 = tpu.memref_slice %arg6[%rem3A_142, %dma_wait3A_150, %dma_wait3A_151] : memref<4x2x128xi32, #tpu.memory_space<vmem>> -> memref<1x2x128xi32, #tpu.memory_space<vmem>>
        %dma_wait3A_153 = tpu.memref_squeeze %dma_wait3A_152 : memref<1x2x128xi32, #tpu.memory_space<vmem>> -> memref<2x128xi32, #tpu.memory_space<vmem>>
        %dma_wait3A_154 = arith.constant 0 : i32
        %dma_wait3A_155 = tpu.memref_slice %arg3[%dma_wait3A_154, %mul3A_149] : memref<2x320000xi32, #tpu.memory_space<hbm>> -> memref<2x128xi32, #tpu.memory_space<hbm>>
        %dma_wait3A_156 = arith.constant 0 : i32
        %dma_wait3A_157 = arith.constant 0 : i32
        %dma_wait3A_158 = tpu.memref_slice %arg6[%rem3A_142, %dma_wait3A_156, %dma_wait3A_157] : memref<4x2x128xi32, #tpu.memory_space<vmem>> -> memref<1x2x128xi32, #tpu.memory_space<vmem>>
        %dma_wait3A_159 = tpu.memref_squeeze %dma_wait3A_158 : memref<1x2x128xi32, #tpu.memory_space<vmem>> -> memref<2x128xi32, #tpu.memory_space<vmem>>
        %dma_wait3A_160 = arith.constant 0 : i32
        %dma_wait3A_161 = tpu.memref_slice %arg3[%dma_wait3A_160, %mul3A_149] : memref<2x320000xi32, #tpu.memory_space<hbm>> -> memref<2x128xi32, #tpu.memory_space<hbm>>
        tpu.wait_dma2 semaphore(%arg8 : memref<!tpu.dma_semaphore, #tpu.memory_space<semaphore_mem>>) src(%dma_wait3A_161 : memref<2x128xi32, #tpu.memory_space<hbm>>) dst(%dma_wait3A_159 : memref<2x128xi32, #tpu.memory_space<vmem>>)
        %dma_start3A_162 = arith.constant 0 : i32
        %dma_start3A_163 = arith.constant 0 : i32
        %dma_start3A_164 = arith.constant 0 : i32
        %dma_start3A_165 = tpu.memref_slice %arg7[%sub3A_100, %dma_start3A_163, %dma_start3A_164] : memref<2x128x128xf32, #tpu.memory_space<vmem>> -> memref<1x128x128xf32, #tpu.memory_space<vmem>>
        %dma_start3A_166 = tpu.memref_squeeze %dma_start3A_165 : memref<1x128x128xf32, #tpu.memory_space<vmem>> -> memref<128x128xf32, #tpu.memory_space<vmem>>
        %dma_start3A_167 = arith.constant 0 : i32
        %dma_start3A_168 = tpu.memref_slice %arg6[%rem3A_142, %dma_start3A_162, %dma_start3A_167] : memref<4x2x128xi32, #tpu.memory_space<vmem>> -> memref<1x1x128xi32, #tpu.memory_space<vmem>>
        %dma_start3A_169 = tpu.memref_squeeze %dma_start3A_168 : memref<1x1x128xi32, #tpu.memory_space<vmem>> -> memref<128xi32, #tpu.memory_space<vmem>>
        %dma_start3A_170 = arith.constant 0 : i32
        %dma_start3A_171 = arith.constant 0 : i32
        %dma_start3A_172 = tpu.memref_slice %arg2[%dma_start3A_170, %dma_start3A_171] : memref<10000x128xf32, #tpu.memory_space<hbm>> -> memref<10000x128xf32, #tpu.memory_space<hbm>>
        tpu.enqueue_indirect_dma source(%dma_start3A_172 : memref<10000x128xf32, #tpu.memory_space<hbm>>) target(%dma_start3A_166 : memref<128x128xf32, #tpu.memory_space<vmem>>) offsets(%dma_start3A_169 : memref<128xi32, #tpu.memory_space<vmem>>) semaphore(%arg9 : memref<!tpu.dma_semaphore, #tpu.memory_space<semaphore_mem>>)
      } else {
      }
      %add3A_133 = arith.constant 2 : i32
      %add3A_134 = arith.addi %while3A_96, %add3A_133 : i32
      %lt3A_135 = arith.cmpi slt, %add3A_134, %add3A_4 : i32
      %convert_element_type3A_136 = arith.extui %lt3A_135 : i1 to i32
      %cond3A_137 = arith.constant 0 : i32
      %cond3A_138 = arith.cmpi ne, %convert_element_type3A_136, %cond3A_137 : i32
      scf.if %cond3A_138 {
        %add3A_139 = arith.constant 2 : i32
        %add3A_140 = arith.addi %while3A_96, %add3A_139 : i32
        %mul3A_141 = arith.constant 32 : i32
        %mul3A_142 = arith.muli %add3A_140, %mul3A_141 : i32
        %add3A_143 = arith.addi %mul3A_142, %add3A : i32
        %mul3A_144 = arith.constant 128 : i32
        %mul3A_145 = arith.muli %add3A_143, %mul3A_144 : i32
        %add3A_146 = arith.constant 2 : i32
        %add3A_147 = arith.addi %while3A_96, %add3A_146 : i32
        %rem3A_148 = arith.constant 4 : i32
        %rem3A_149 = arith.remsi %add3A_147, %rem3A_148 : i32
        %dma_start3A_150 = arith.constant 0 : i32
        %dma_start3A_151 = arith.constant 0 : i32
        %dma_start3A_152 = tpu.memref_slice %arg6[%rem3A_149, %dma_start3A_150, %dma_start3A_151] : memref<4x2x128xi32, #tpu.memory_space<vmem>> -> memref<1x2x128xi32, #tpu.memory_space<vmem>>
        %dma_start3A_153 = tpu.memref_squeeze %dma_start3A_152 : memref<1x2x128xi32, #tpu.memory_space<vmem>> -> memref<2x128xi32, #tpu.memory_space<vmem>>
        %dma_start3A_154 = arith.constant 0 : i32
        %dma_start3A_155 = tpu.memref_slice %arg3[%dma_start3A_154, %mul3A_145] : memref<2x320000xi32, #tpu.memory_space<hbm>> -> memref<2x128xi32, #tpu.memory_space<hbm>>
        %dma_start3A_156 = arith.constant 0 : i32
        %dma_start3A_157 = arith.constant 0 : i32
        %dma_start3A_158 = tpu.memref_slice %arg6[%rem3A_149, %dma_start3A_156, %dma_start3A_157] : memref<4x2x128xi32, #tpu.memory_space<vmem>> -> memref<1x2x128xi32, #tpu.memory_space<vmem>>
        %dma_start3A_159 = tpu.memref_squeeze %dma_start3A_158 : memref<1x2x128xi32, #tpu.memory_space<vmem>> -> memref<2x128xi32, #tpu.memory_space<vmem>>
        %dma_start3A_160 = arith.constant 0 : i32
        %dma_start3A_161 = tpu.memref_slice %arg3[%dma_start3A_160, %mul3A_145] : memref<2x320000xi32, #tpu.memory_space<hbm>> -> memref<2x128xi32, #tpu.memory_space<hbm>>
        tpu.enqueue_dma source(%dma_start3A_161 : memref<2x128xi32, #tpu.memory_space<hbm>>) target(%dma_start3A_159 : memref<2x128xi32, #tpu.memory_space<vmem>>) target_semaphore(%arg8 : memref<!tpu.dma_semaphore, #tpu.memory_space<semaphore_mem>>)
      } else {
      }
    }
    %while3A_73 = arith.constant 1 : i32
    scf.for %while3A_96 = %while3A_71 to %while3A_67 step %while3A_73  : i32 {
      %rem3A_97 = arith.constant 2 : i32
      %rem3A_98 = arith.remsi %while3A_96, %rem3A_97 : i32
      %sub3A_99 = arith.constant 1 : i32
      %sub3A_100 = arith.subi %sub3A_99, %rem3A_98 : i32
      %rem3A_101 = arith.constant 4 : i32
      %rem3A_102 = arith.remsi %while3A_96, %rem3A_101 : i32
      %dma_wait3A_103 = arith.constant 0 : i32
      %dma_wait3A_104 = arith.constant 0 : i32
      %dma_wait3A_105 = arith.constant 0 : i32
      %dma_wait3A_106 = tpu.memref_slice %arg7[%rem3A_98, %dma_wait3A_104, %dma_wait3A_105] : memref<2x128x128xf32, #tpu.memory_space<vmem>> -> memref<1x128x128xf32, #tpu.memory_space<vmem>>
      %dma_wait3A_107 = tpu.memref_squeeze %dma_wait3A_106 : memref<1x128x128xf32, #tpu.memory_space<vmem>> -> memref<128x128xf32, #tpu.memory_space<vmem>>
      %dma_wait3A_108 = arith.constant 0 : i32
      %dma_wait3A_109 = tpu.memref_slice %arg6[%rem3A_102, %dma_wait3A_103, %dma_wait3A_108] : memref<4x2x128xi32, #tpu.memory_space<vmem>> -> memref<1x1x128xi32, #tpu.memory_space<vmem>>
      %dma_wait3A_110 = tpu.memref_squeeze %dma_wait3A_109 : memref<1x1x128xi32, #tpu.memory_space<vmem>> -> memref<128xi32, #tpu.memory_space<vmem>>
      %dma_wait3A_111 = arith.constant 0 : i32
      %dma_wait3A_112 = arith.constant 0 : i32
      %dma_wait3A_113 = tpu.memref_slice %arg2[%dma_wait3A_111, %dma_wait3A_112] : memref<10000x128xf32, #tpu.memory_space<hbm>> -> memref<10000x128xf32, #tpu.memory_space<hbm>>
      tpu.wait_indirect_dma semaphore(%arg9 : memref<!tpu.dma_semaphore, #tpu.memory_space<semaphore_mem>>) src(%dma_wait3A_113 : memref<10000x128xf32, #tpu.memory_space<hbm>>) dst(%dma_wait3A_107 : memref<128x128xf32, #tpu.memory_space<vmem>>)
      %ge3A = arith.constant 1 : i32
      %ge3A_114 = arith.cmpi sge, %while3A_96, %ge3A : i32
      %convert_element_type3A = arith.extui %ge3A_114 : i1 to i32
      %cond3A = arith.constant 0 : i32
      %cond3A_115 = arith.cmpi ne, %convert_element_type3A, %cond3A : i32
      scf.if %cond3A_115 {
        %add3A_139 = arith.constant 3 : i32
        %add3A_140 = arith.addi %while3A_96, %add3A_139 : i32
        %rem3A_141 = arith.constant 4 : i32
        %rem3A_142 = arith.remsi %add3A_140, %rem3A_141 : i32
        %dma_wait3A_143 = arith.constant 1 : i32
        %dma_wait3A_144 = arith.constant 0 : i32
        %dma_wait3A_145 = arith.constant 0 : i32
        %dma_wait3A_146 = tpu.memref_slice %arg7[%sub3A_100, %dma_wait3A_144, %dma_wait3A_145] : memref<2x128x128xf32, #tpu.memory_space<vmem>> -> memref<1x128x128xf32, #tpu.memory_space<vmem>>
        %dma_wait3A_147 = tpu.memref_squeeze %dma_wait3A_146 : memref<1x128x128xf32, #tpu.memory_space<vmem>> -> memref<128x128xf32, #tpu.memory_space<vmem>>
        %dma_wait3A_148 = arith.constant 0 : i32
        %dma_wait3A_149 = tpu.memref_slice %arg6[%rem3A_142, %dma_wait3A_143, %dma_wait3A_148] : memref<4x2x128xi32, #tpu.memory_space<vmem>> -> memref<1x1x128xi32, #tpu.memory_space<vmem>>
        %dma_wait3A_150 = tpu.memref_squeeze %dma_wait3A_149 : memref<1x1x128xi32, #tpu.memory_space<vmem>> -> memref<128xi32, #tpu.memory_space<vmem>>
        %dma_wait3A_151 = arith.constant 0 : i32
        %dma_wait3A_152 = arith.constant 0 : i32
        %dma_wait3A_153 = tpu.memref_slice %arg11[%dma_wait3A_151, %dma_wait3A_152] : memref<10240x128xf32, #tpu.memory_space<vmem_shared>> -> memref<10240x128xf32, #tpu.memory_space<vmem_shared>>
        tpu.wait_indirect_dma semaphore(%arg10 : memref<!tpu.dma_semaphore, #tpu.memory_space<semaphore_mem>>) src(%dma_wait3A_147 : memref<128x128xf32, #tpu.memory_space<vmem>>) dst(%dma_wait3A_153 : memref<10240x128xf32, #tpu.memory_space<vmem_shared>>)
      } else {
      }
      %dma_start3A_116 = arith.constant 1 : i32
      %dma_start3A_117 = arith.constant 0 : i32
      %dma_start3A_118 = arith.constant 0 : i32
      %dma_start3A_119 = tpu.memref_slice %arg7[%rem3A_98, %dma_start3A_117, %dma_start3A_118] : memref<2x128x128xf32, #tpu.memory_space<vmem>> -> memref<1x128x128xf32, #tpu.memory_space<vmem>>
      %dma_start3A_120 = tpu.memref_squeeze %dma_start3A_119 : memref<1x128x128xf32, #tpu.memory_space<vmem>> -> memref<128x128xf32, #tpu.memory_space<vmem>>
      %dma_start3A_121 = arith.constant 0 : i32
      %dma_start3A_122 = tpu.memref_slice %arg6[%rem3A_102, %dma_start3A_116, %dma_start3A_121] : memref<4x2x128xi32, #tpu.memory_space<vmem>> -> memref<1x1x128xi32, #tpu.memory_space<vmem>>
      %dma_start3A_123 = tpu.memref_squeeze %dma_start3A_122 : memref<1x1x128xi32, #tpu.memory_space<vmem>> -> memref<128xi32, #tpu.memory_space<vmem>>
      %dma_start3A_124 = arith.constant 0 : i32
      %dma_start3A_125 = arith.constant 0 : i32
      %dma_start3A_126 = tpu.memref_slice %arg11[%dma_start3A_124, %dma_start3A_125] : memref<10240x128xf32, #tpu.memory_space<vmem_shared>> -> memref<10240x128xf32, #tpu.memory_space<vmem_shared>>
      tpu.enqueue_indirect_dma source(%dma_start3A_120 : memref<128x128xf32, #tpu.memory_space<vmem>>) target(%dma_start3A_126 : memref<10240x128xf32, #tpu.memory_space<vmem_shared>>) offsets(%dma_start3A_123 : memref<128xi32, #tpu.memory_space<vmem>>) semaphore(%arg10 : memref<!tpu.dma_semaphore, #tpu.memory_space<semaphore_mem>>) {add = true}
      %add3A_127 = arith.constant 1 : i32
      %add3A_128 = arith.addi %while3A_96, %add3A_127 : i32
      %lt3A_129 = arith.cmpi slt, %add3A_128, %add3A_4 : i32
      %convert_element_type3A_130 = arith.extui %lt3A_129 : i1 to i32
      %cond3A_131 = arith.constant 0 : i32
      %cond3A_132 = arith.cmpi ne, %convert_element_type3A_130, %cond3A_131 : i32
      scf.if %cond3A_132 {
        %add3A_139 = arith.constant 1 : i32
        %add3A_140 = arith.addi %while3A_96, %add3A_139 : i32
        %rem3A_141 = arith.constant 4 : i32
        %rem3A_142 = arith.remsi %add3A_140, %rem3A_141 : i32
        %add3A_143 = arith.constant 1 : i32
        %add3A_144 = arith.addi %while3A_96, %add3A_143 : i32
        %mul3A_145 = arith.constant 32 : i32
        %mul3A_146 = arith.muli %add3A_144, %mul3A_145 : i32
        %add3A_147 = arith.addi %mul3A_146, %add3A : i32
        %mul3A_148 = arith.constant 128 : i32
        %mul3A_149 = arith.muli %add3A_147, %mul3A_148 : i32
        %dma_wait3A_150 = arith.constant 0 : i32
        %dma_wait3A_151 = arith.constant 0 : i32
        %dma_wait3A_152 = tpu.memref_slice %arg6[%rem3A_142, %dma_wait3A_150, %dma_wait3A_151] : memref<4x2x128xi32, #tpu.memory_space<vmem>> -> memref<1x2x128xi32, #tpu.memory_space<vmem>>
        %dma_wait3A_153 = tpu.memref_squeeze %dma_wait3A_152 : memref<1x2x128xi32, #tpu.memory_space<vmem>> -> memref<2x128xi32, #tpu.memory_space<vmem>>
        %dma_wait3A_154 = arith.constant 0 : i32
        %dma_wait3A_155 = tpu.memref_slice %arg3[%dma_wait3A_154, %mul3A_149] : memref<2x320000xi32, #tpu.memory_space<hbm>> -> memref<2x128xi32, #tpu.memory_space<hbm>>
        %dma_wait3A_156 = arith.constant 0 : i32
        %dma_wait3A_157 = arith.constant 0 : i32
        %dma_wait3A_158 = tpu.memref_slice %arg6[%rem3A_142, %dma_wait3A_156, %dma_wait3A_157] : memref<4x2x128xi32, #tpu.memory_space<vmem>> -> memref<1x2x128xi32, #tpu.memory_space<vmem>>
        %dma_wait3A_159 = tpu.memref_squeeze %dma_wait3A_158 : memref<1x2x128xi32, #tpu.memory_space<vmem>> -> memref<2x128xi32, #tpu.memory_space<vmem>>
        %dma_wait3A_160 = arith.constant 0 : i32
        %dma_wait3A_161 = tpu.memref_slice %arg3[%dma_wait3A_160, %mul3A_149] : memref<2x320000xi32, #tpu.memory_space<hbm>> -> memref<2x128xi32, #tpu.memory_space<hbm>>
        tpu.wait_dma2 semaphore(%arg8 : memref<!tpu.dma_semaphore, #tpu.memory_space<semaphore_mem>>) src(%dma_wait3A_161 : memref<2x128xi32, #tpu.memory_space<hbm>>) dst(%dma_wait3A_159 : memref<2x128xi32, #tpu.memory_space<vmem>>)
        %dma_start3A_162 = arith.constant 0 : i32
        %dma_start3A_163 = arith.constant 0 : i32
        %dma_start3A_164 = arith.constant 0 : i32
        %dma_start3A_165 = tpu.memref_slice %arg7[%sub3A_100, %dma_start3A_163, %dma_start3A_164] : memref<2x128x128xf32, #tpu.memory_space<vmem>> -> memref<1x128x128xf32, #tpu.memory_space<vmem>>
        %dma_start3A_166 = tpu.memref_squeeze %dma_start3A_165 : memref<1x128x128xf32, #tpu.memory_space<vmem>> -> memref<128x128xf32, #tpu.memory_space<vmem>>
        %dma_start3A_167 = arith.constant 0 : i32
        %dma_start3A_168 = tpu.memref_slice %arg6[%rem3A_142, %dma_start3A_162, %dma_start3A_167] : memref<4x2x128xi32, #tpu.memory_space<vmem>> -> memref<1x1x128xi32, #tpu.memory_space<vmem>>
        %dma_start3A_169 = tpu.memref_squeeze %dma_start3A_168 : memref<1x1x128xi32, #tpu.memory_space<vmem>> -> memref<128xi32, #tpu.memory_space<vmem>>
        %dma_start3A_170 = arith.constant 0 : i32
        %dma_start3A_171 = arith.constant 0 : i32
        %dma_start3A_172 = tpu.memref_slice %arg2[%dma_start3A_170, %dma_start3A_171] : memref<10000x128xf32, #tpu.memory_space<hbm>> -> memref<10000x128xf32, #tpu.memory_space<hbm>>
        tpu.enqueue_indirect_dma source(%dma_start3A_172 : memref<10000x128xf32, #tpu.memory_space<hbm>>) target(%dma_start3A_166 : memref<128x128xf32, #tpu.memory_space<vmem>>) offsets(%dma_start3A_169 : memref<128xi32, #tpu.memory_space<vmem>>) semaphore(%arg9 : memref<!tpu.dma_semaphore, #tpu.memory_space<semaphore_mem>>)
      } else {
      }
      %add3A_133 = arith.constant 2 : i32
      %add3A_134 = arith.addi %while3A_96, %add3A_133 : i32
      %lt3A_135 = arith.cmpi slt, %add3A_134, %add3A_4 : i32
      %convert_element_type3A_136 = arith.extui %lt3A_135 : i1 to i32
      %cond3A_137 = arith.constant 0 : i32
      %cond3A_138 = arith.cmpi ne, %convert_element_type3A_136, %cond3A_137 : i32
      scf.if %cond3A_138 {
        %add3A_139 = arith.constant 2 : i32
        %add3A_140 = arith.addi %while3A_96, %add3A_139 : i32
        %mul3A_141 = arith.constant 32 : i32
        %mul3A_142 = arith.muli %add3A_140, %mul3A_141 : i32
        %add3A_143 = arith.addi %mul3A_142, %add3A : i32
        %mul3A_144 = arith.constant 128 : i32
        %mul3A_145 = arith.muli %add3A_143, %mul3A_144 : i32
        %add3A_146 = arith.constant 2 : i32
        %add3A_147 = arith.addi %while3A_96, %add3A_146 : i32
        %rem3A_148 = arith.constant 4 : i32
        %rem3A_149 = arith.remsi %add3A_147, %rem3A_148 : i32
        %dma_start3A_150 = arith.constant 0 : i32
        %dma_start3A_151 = arith.constant 0 : i32
        %dma_start3A_152 = tpu.memref_slice %arg6[%rem3A_149, %dma_start3A_150, %dma_start3A_151] : memref<4x2x128xi32, #tpu.memory_space<vmem>> -> memref<1x2x128xi32, #tpu.memory_space<vmem>>
        %dma_start3A_153 = tpu.memref_squeeze %dma_start3A_152 : memref<1x2x128xi32, #tpu.memory_space<vmem>> -> memref<2x128xi32, #tpu.memory_space<vmem>>
        %dma_start3A_154 = arith.constant 0 : i32
        %dma_start3A_155 = tpu.memref_slice %arg3[%dma_start3A_154, %mul3A_145] : memref<2x320000xi32, #tpu.memory_space<hbm>> -> memref<2x128xi32, #tpu.memory_space<hbm>>
        %dma_start3A_156 = arith.constant 0 : i32
        %dma_start3A_157 = arith.constant 0 : i32
        %dma_start3A_158 = tpu.memref_slice %arg6[%rem3A_149, %dma_start3A_156, %dma_start3A_157] : memref<4x2x128xi32, #tpu.memory_space<vmem>> -> memref<1x2x128xi32, #tpu.memory_space<vmem>>
        %dma_start3A_159 = tpu.memref_squeeze %dma_start3A_158 : memref<1x2x128xi32, #tpu.memory_space<vmem>> -> memref<2x128xi32, #tpu.memory_space<vmem>>
        %dma_start3A_160 = arith.constant 0 : i32
        %dma_start3A_161 = tpu.memref_slice %arg3[%dma_start3A_160, %mul3A_145] : memref<2x320000xi32, #tpu.memory_space<hbm>> -> memref<2x128xi32, #tpu.memory_space<hbm>>
        tpu.enqueue_dma source(%dma_start3A_161 : memref<2x128xi32, #tpu.memory_space<hbm>>) target(%dma_start3A_159 : memref<2x128xi32, #tpu.memory_space<vmem>>) target_semaphore(%arg8 : memref<!tpu.dma_semaphore, #tpu.memory_space<semaphore_mem>>)
      } else {
      }
    }
    %sub3A = arith.constant 1 : i32
    %sub3A_74 = arith.subi %add3A_4, %sub3A : i32
    %rem3A = arith.constant 2 : i32
    %rem3A_75 = arith.remsi %sub3A_74, %rem3A : i32
    %sub3A_76 = arith.constant 1 : i32
    %sub3A_77 = arith.subi %add3A_4, %sub3A_76 : i32
    %rem3A_78 = arith.constant 4 : i32
    %rem3A_79 = arith.remsi %sub3A_77, %rem3A_78 : i32
    %dma_wait3A_80 = arith.constant 1 : i32
    %dma_wait3A_81 = arith.constant 0 : i32
    %dma_wait3A_82 = arith.constant 0 : i32
    %dma_wait3A_83 = tpu.memref_slice %arg7[%rem3A_75, %dma_wait3A_81, %dma_wait3A_82] : memref<2x128x128xf32, #tpu.memory_space<vmem>> -> memref<1x128x128xf32, #tpu.memory_space<vmem>>
    %dma_wait3A_84 = tpu.memref_squeeze %dma_wait3A_83 : memref<1x128x128xf32, #tpu.memory_space<vmem>> -> memref<128x128xf32, #tpu.memory_space<vmem>>
    %dma_wait3A_85 = arith.constant 0 : i32
    %dma_wait3A_86 = tpu.memref_slice %arg6[%rem3A_79, %dma_wait3A_80, %dma_wait3A_85] : memref<4x2x128xi32, #tpu.memory_space<vmem>> -> memref<1x1x128xi32, #tpu.memory_space<vmem>>
    %dma_wait3A_87 = tpu.memref_squeeze %dma_wait3A_86 : memref<1x1x128xi32, #tpu.memory_space<vmem>> -> memref<128xi32, #tpu.memory_space<vmem>>
    %dma_wait3A_88 = arith.constant 0 : i32
    %dma_wait3A_89 = arith.constant 0 : i32
    %dma_wait3A_90 = tpu.memref_slice %arg11[%dma_wait3A_88, %dma_wait3A_89] : memref<10240x128xf32, #tpu.memory_space<vmem_shared>> -> memref<10240x128xf32, #tpu.memory_space<vmem_shared>>
    tpu.wait_indirect_dma semaphore(%arg10 : memref<!tpu.dma_semaphore, #tpu.memory_space<semaphore_mem>>) src(%dma_wait3A_84 : memref<128x128xf32, #tpu.memory_space<vmem>>) dst(%dma_wait3A_90 : memref<10240x128xf32, #tpu.memory_space<vmem_shared>>)
    %barrier3A_91 = arith.constant 0 : index
    tpu.barrier barrier_id(%barrier3A_91)
    %mul3A_92 = arith.constant 640 : i32
    %mul3A_93 = arith.muli %arg1, %mul3A_92 : i32
    %mul3A_94 = arith.constant 640 : i32
    %mul3A_95 = arith.muli %arg1, %mul3A_94 : i32
    "tpu.region"() ({
      %run_scoped3A = tpu.sem_alloc : memref<!tpu.dma_semaphore, #tpu.memory_space<semaphore_mem>>
      %dma_start3A_96 = arith.constant 0 : i32
      %dma_start3A_97 = tpu.memref_slice %arg5[%arg0, %mul3A_95, %dma_start3A_96] : memref<2x10240x128xf32, #tpu.memory_space<hbm>> -> memref<1x640x128xf32, #tpu.memory_space<hbm>>
      %dma_start3A_98 = tpu.memref_squeeze %dma_start3A_97 : memref<1x640x128xf32, #tpu.memory_space<hbm>> -> memref<640x128xf32, #tpu.memory_space<hbm>>
      %dma_start3A_99 = arith.constant 0 : i32
      %dma_start3A_100 = tpu.memref_slice %arg11[%mul3A_93, %dma_start3A_99] : memref<10240x128xf32, #tpu.memory_space<vmem_shared>> -> memref<640x128xf32, #tpu.memory_space<vmem_shared>>
      tpu.enqueue_dma source(%dma_start3A_100 : memref<640x128xf32, #tpu.memory_space<vmem_shared>>) target(%dma_start3A_98 : memref<640x128xf32, #tpu.memory_space<hbm>>) target_semaphore(%run_scoped3A : memref<!tpu.dma_semaphore, #tpu.memory_space<semaphore_mem>>)
      %dma_wait3A_101 = arith.constant 0 : i32
      %dma_wait3A_102 = tpu.memref_slice %arg5[%arg0, %mul3A_95, %dma_wait3A_101] : memref<2x10240x128xf32, #tpu.memory_space<hbm>> -> memref<1x640x128xf32, #tpu.memory_space<hbm>>
      %dma_wait3A_103 = tpu.memref_squeeze %dma_wait3A_102 : memref<1x640x128xf32, #tpu.memory_space<hbm>> -> memref<640x128xf32, #tpu.memory_space<hbm>>
      %dma_wait3A_104 = arith.constant 0 : i32
      %dma_wait3A_105 = tpu.memref_slice %arg11[%mul3A_93, %dma_wait3A_104] : memref<10240x128xf32, #tpu.memory_space<vmem_shared>> -> memref<640x128xf32, #tpu.memory_space<vmem_shared>>
      tpu.wait_dma2 semaphore(%run_scoped3A : memref<!tpu.dma_semaphore, #tpu.memory_space<semaphore_mem>>) src(%dma_wait3A_105 : memref<640x128xf32, #tpu.memory_space<vmem_shared>>) dst(%dma_wait3A_103 : memref<640x128xf32, #tpu.memory_space<hbm>>)
      tpu.yield
    }) : () -> ()
    return
  }
}

#map = affine_map<(d0, d1) -> (0, 0)>
#map1 = affine_map<(d0, d1) -> (0)>
module attributes {stable_mosaic.version = 14 : i64} {
  func.func @_deg_body(%arg0: i32, %arg1: i32, %arg2: memref<2x320000xi32, #tpu.memory_space<hbm>>, %arg3: memref<10240xf32, #tpu.memory_space<hbm>>, %arg4: memref<2x10240xf32, #tpu.memory_space<hbm>>, %arg5: memref<4x2x128xi32, #tpu.memory_space<vmem>>, %arg6: memref<128xf32, #tpu.memory_space<vmem>>, %arg7: memref<!tpu.dma_semaphore, #tpu.memory_space<semaphore_mem>>, %arg8: memref<10240xf32, #tpu.memory_space<vmem_shared>>) attributes {dimension_semantics = [#tpu.dimension_semantics<core_parallel>, #tpu.dimension_semantics<subcore_parallel>], iteration_bounds = array<i64: 2, 16>, scalar_prefetch = 0 : i64, scratch_operands = 4 : i64, tpu.core_type = #tpu.core_type<sc_vector_subcore>, window_params = [{transform_indices = #map}, {transform_indices = #map1}, {transform_indices = #map}]} {
    %mul3A = arith.constant 16 : i32
    %mul3A_0 = arith.muli %arg0, %mul3A : i32
    %add3A = arith.addi %mul3A_0, %arg1 : i32
    %lt3A = arith.constant 4 : i32
    %lt3A_1 = arith.cmpi slt, %add3A, %lt3A : i32
    %jit3A = arith.constant 1 : i32
    %jit3A_2 = arith.constant 0 : i32
    %select_n3A = arith.select %lt3A_1, %jit3A, %jit3A_2 : i32
    %add3A_3 = arith.constant 78 : i32
    %add3A_4 = arith.addi %add3A_3, %select_n3A : i32
    %scan3A = arith.constant 0 : i32
    %scan3A_5 = arith.constant 0 : i32
    %scan3A_6 = arith.constant 8 : i32
    %scan3A_7 = arith.addi %scan3A_5, %scan3A_6 : i32
    %scan3A_8 = arith.constant 1 : i32
    scf.for %scan3A_95 = %scan3A_5 to %scan3A_7 step %scan3A_8  : i32 {
      %broadcast_in_dim3A = arith.constant 1.000000e+00 : f32
      %broadcast_in_dim3A_96 = vector.broadcast %broadcast_in_dim3A : f32 to vector<16xf32>
      %mul3A_97 = arith.constant 16 : i32
      %mul3A_98 = arith.muli %scan3A_95, %mul3A_97 : i32
      %swap3A = arith.index_cast %mul3A_98 : i32 to index
      %swap3A_99 = tpu.vector_load %arg6[%swap3A] {strides = array<i32>} : memref<128xf32, #tpu.memory_space<vmem>>, vector<16xf32>,
      %swap3A_100 = vector.shape_cast %swap3A_99 : vector<16xf32> to vector<16xf32>
      %swap3A_101 = vector.shape_cast %broadcast_in_dim3A_96 : vector<16xf32> to vector<16xf32>
      tpu.vector_store %arg6[%swap3A], %swap3A_101 {strides = array<i32>} : memref<128xf32, #tpu.memory_space<vmem>>, vector<16xf32>,
    }
    %scan3A_9 = arith.constant 8 : i32
    %mul3A_10 = arith.constant 640 : i32
    %mul3A_11 = arith.muli %arg1, %mul3A_10 : i32
    %mul3A_12 = arith.constant 640 : i32
    %mul3A_13 = arith.muli %arg1, %mul3A_12 : i32
    "tpu.region"() ({
      %run_scoped3A = tpu.sem_alloc : memref<!tpu.dma_semaphore, #tpu.memory_space<semaphore_mem>>
      %dma_start3A_95 = tpu.memref_slice %arg8[%mul3A_13] : memref<10240xf32, #tpu.memory_space<vmem_shared>> -> memref<640xf32, #tpu.memory_space<vmem_shared>>
      %dma_start3A_96 = tpu.memref_slice %arg3[%mul3A_11] : memref<10240xf32, #tpu.memory_space<hbm>> -> memref<640xf32, #tpu.memory_space<hbm>>
      tpu.enqueue_dma source(%dma_start3A_96 : memref<640xf32, #tpu.memory_space<hbm>>) target(%dma_start3A_95 : memref<640xf32, #tpu.memory_space<vmem_shared>>) target_semaphore(%run_scoped3A : memref<!tpu.dma_semaphore, #tpu.memory_space<semaphore_mem>>)
      %dma_wait3A = tpu.memref_slice %arg8[%mul3A_13] : memref<10240xf32, #tpu.memory_space<vmem_shared>> -> memref<640xf32, #tpu.memory_space<vmem_shared>>
      %dma_wait3A_97 = tpu.memref_slice %arg3[%mul3A_11] : memref<10240xf32, #tpu.memory_space<hbm>> -> memref<640xf32, #tpu.memory_space<hbm>>
      tpu.wait_dma2 semaphore(%run_scoped3A : memref<!tpu.dma_semaphore, #tpu.memory_space<semaphore_mem>>) src(%dma_wait3A_97 : memref<640xf32, #tpu.memory_space<hbm>>) dst(%dma_wait3A : memref<640xf32, #tpu.memory_space<vmem_shared>>)
      tpu.yield
    }) : () -> ()
    %barrier3A = arith.constant 0 : index
    tpu.barrier barrier_id(%barrier3A)
    %add3A_14 = arith.constant 0 : i32
    %add3A_15 = arith.addi %add3A_14, %add3A : i32
    %mul3A_16 = arith.constant 128 : i32
    %mul3A_17 = arith.muli %add3A_15, %mul3A_16 : i32
    %dma_start3A = arith.constant 0 : i32
    %dma_start3A_18 = arith.constant 0 : i32
    %dma_start3A_19 = arith.constant 0 : i32
    %dma_start3A_20 = tpu.memref_slice %arg5[%dma_start3A, %dma_start3A_18, %dma_start3A_19] : memref<4x2x128xi32, #tpu.memory_space<vmem>> -> memref<1x2x128xi32, #tpu.memory_space<vmem>>
    %dma_start3A_21 = tpu.memref_squeeze %dma_start3A_20 : memref<1x2x128xi32, #tpu.memory_space<vmem>> -> memref<2x128xi32, #tpu.memory_space<vmem>>
    %dma_start3A_22 = arith.constant 0 : i32
    %dma_start3A_23 = tpu.memref_slice %arg2[%dma_start3A_22, %mul3A_17] : memref<2x320000xi32, #tpu.memory_space<hbm>> -> memref<2x128xi32, #tpu.memory_space<hbm>>
    %dma_start3A_24 = arith.constant 0 : i32
    %dma_start3A_25 = arith.constant 0 : i32
    %dma_start3A_26 = tpu.memref_slice %arg5[%dma_start3A, %dma_start3A_24, %dma_start3A_25] : memref<4x2x128xi32, #tpu.memory_space<vmem>> -> memref<1x2x128xi32, #tpu.memory_space<vmem>>
    %dma_start3A_27 = tpu.memref_squeeze %dma_start3A_26 : memref<1x2x128xi32, #tpu.memory_space<vmem>> -> memref<2x128xi32, #tpu.memory_space<vmem>>
    %dma_start3A_28 = arith.constant 0 : i32
    %dma_start3A_29 = tpu.memref_slice %arg2[%dma_start3A_28, %mul3A_17] : memref<2x320000xi32, #tpu.memory_space<hbm>> -> memref<2x128xi32, #tpu.memory_space<hbm>>
    tpu.enqueue_dma source(%dma_start3A_29 : memref<2x128xi32, #tpu.memory_space<hbm>>) target(%dma_start3A_27 : memref<2x128xi32, #tpu.memory_space<vmem>>) target_semaphore(%arg7 : memref<!tpu.dma_semaphore, #tpu.memory_space<semaphore_mem>>)
    %add3A_30 = arith.constant 32 : i32
    %add3A_31 = arith.addi %add3A_30, %add3A : i32
    %mul3A_32 = arith.constant 128 : i32
    %mul3A_33 = arith.muli %add3A_31, %mul3A_32 : i32
    %dma_start3A_34 = arith.constant 1 : i32
    %dma_start3A_35 = arith.constant 0 : i32
    %dma_start3A_36 = arith.constant 0 : i32
    %dma_start3A_37 = tpu.memref_slice %arg5[%dma_start3A_34, %dma_start3A_35, %dma_start3A_36] : memref<4x2x128xi32, #tpu.memory_space<vmem>> -> memref<1x2x128xi32, #tpu.memory_space<vmem>>
    %dma_start3A_38 = tpu.memref_squeeze %dma_start3A_37 : memref<1x2x128xi32, #tpu.memory_space<vmem>> -> memref<2x128xi32, #tpu.memory_space<vmem>>
    %dma_start3A_39 = arith.constant 0 : i32
    %dma_start3A_40 = tpu.memref_slice %arg2[%dma_start3A_39, %mul3A_33] : memref<2x320000xi32, #tpu.memory_space<hbm>> -> memref<2x128xi32, #tpu.memory_space<hbm>>
    %dma_start3A_41 = arith.constant 0 : i32
    %dma_start3A_42 = arith.constant 0 : i32
    %dma_start3A_43 = tpu.memref_slice %arg5[%dma_start3A_34, %dma_start3A_41, %dma_start3A_42] : memref<4x2x128xi32, #tpu.memory_space<vmem>> -> memref<1x2x128xi32, #tpu.memory_space<vmem>>
    %dma_start3A_44 = tpu.memref_squeeze %dma_start3A_43 : memref<1x2x128xi32, #tpu.memory_space<vmem>> -> memref<2x128xi32, #tpu.memory_space<vmem>>
    %dma_start3A_45 = arith.constant 0 : i32
    %dma_start3A_46 = tpu.memref_slice %arg2[%dma_start3A_45, %mul3A_33] : memref<2x320000xi32, #tpu.memory_space<hbm>> -> memref<2x128xi32, #tpu.memory_space<hbm>>
    tpu.enqueue_dma source(%dma_start3A_46 : memref<2x128xi32, #tpu.memory_space<hbm>>) target(%dma_start3A_44 : memref<2x128xi32, #tpu.memory_space<vmem>>) target_semaphore(%arg7 : memref<!tpu.dma_semaphore, #tpu.memory_space<semaphore_mem>>)
    %add3A_47 = arith.constant 64 : i32
    %add3A_48 = arith.addi %add3A_47, %add3A : i32
    %mul3A_49 = arith.constant 128 : i32
    %mul3A_50 = arith.muli %add3A_48, %mul3A_49 : i32
    %dma_start3A_51 = arith.constant 2 : i32
    %dma_start3A_52 = arith.constant 0 : i32
    %dma_start3A_53 = arith.constant 0 : i32
    %dma_start3A_54 = tpu.memref_slice %arg5[%dma_start3A_51, %dma_start3A_52, %dma_start3A_53] : memref<4x2x128xi32, #tpu.memory_space<vmem>> -> memref<1x2x128xi32, #tpu.memory_space<vmem>>
    %dma_start3A_55 = tpu.memref_squeeze %dma_start3A_54 : memref<1x2x128xi32, #tpu.memory_space<vmem>> -> memref<2x128xi32, #tpu.memory_space<vmem>>
    %dma_start3A_56 = arith.constant 0 : i32
    %dma_start3A_57 = tpu.memref_slice %arg2[%dma_start3A_56, %mul3A_50] : memref<2x320000xi32, #tpu.memory_space<hbm>> -> memref<2x128xi32, #tpu.memory_space<hbm>>
    %dma_start3A_58 = arith.constant 0 : i32
    %dma_start3A_59 = arith.constant 0 : i32
    %dma_start3A_60 = tpu.memref_slice %arg5[%dma_start3A_51, %dma_start3A_58, %dma_start3A_59] : memref<4x2x128xi32, #tpu.memory_space<vmem>> -> memref<1x2x128xi32, #tpu.memory_space<vmem>>
    %dma_start3A_61 = tpu.memref_squeeze %dma_start3A_60 : memref<1x2x128xi32, #tpu.memory_space<vmem>> -> memref<2x128xi32, #tpu.memory_space<vmem>>
    %dma_start3A_62 = arith.constant 0 : i32
    %dma_start3A_63 = tpu.memref_slice %arg2[%dma_start3A_62, %mul3A_50] : memref<2x320000xi32, #tpu.memory_space<hbm>> -> memref<2x128xi32, #tpu.memory_space<hbm>>
    tpu.enqueue_dma source(%dma_start3A_63 : memref<2x128xi32, #tpu.memory_space<hbm>>) target(%dma_start3A_61 : memref<2x128xi32, #tpu.memory_space<vmem>>) target_semaphore(%arg7 : memref<!tpu.dma_semaphore, #tpu.memory_space<semaphore_mem>>)
    %add3A_64 = arith.constant 96 : i32
    %add3A_65 = arith.addi %add3A_64, %add3A : i32
    %mul3A_66 = arith.constant 128 : i32
    %mul3A_67 = arith.muli %add3A_65, %mul3A_66 : i32
    %dma_start3A_68 = arith.constant 3 : i32
    %dma_start3A_69 = arith.constant 0 : i32
    %dma_start3A_70 = arith.constant 0 : i32
    %dma_start3A_71 = tpu.memref_slice %arg5[%dma_start3A_68, %dma_start3A_69, %dma_start3A_70] : memref<4x2x128xi32, #tpu.memory_space<vmem>> -> memref<1x2x128xi32, #tpu.memory_space<vmem>>
    %dma_start3A_72 = tpu.memref_squeeze %dma_start3A_71 : memref<1x2x128xi32, #tpu.memory_space<vmem>> -> memref<2x128xi32, #tpu.memory_space<vmem>>
    %dma_start3A_73 = arith.constant 0 : i32
    %dma_start3A_74 = tpu.memref_slice %arg2[%dma_start3A_73, %mul3A_67] : memref<2x320000xi32, #tpu.memory_space<hbm>> -> memref<2x128xi32, #tpu.memory_space<hbm>>
    %dma_start3A_75 = arith.constant 0 : i32
    %dma_start3A_76 = arith.constant 0 : i32
    %dma_start3A_77 = tpu.memref_slice %arg5[%dma_start3A_68, %dma_start3A_75, %dma_start3A_76] : memref<4x2x128xi32, #tpu.memory_space<vmem>> -> memref<1x2x128xi32, #tpu.memory_space<vmem>>
    %dma_start3A_78 = tpu.memref_squeeze %dma_start3A_77 : memref<1x2x128xi32, #tpu.memory_space<vmem>> -> memref<2x128xi32, #tpu.memory_space<vmem>>
    %dma_start3A_79 = arith.constant 0 : i32
    %dma_start3A_80 = tpu.memref_slice %arg2[%dma_start3A_79, %mul3A_67] : memref<2x320000xi32, #tpu.memory_space<hbm>> -> memref<2x128xi32, #tpu.memory_space<hbm>>
    tpu.enqueue_dma source(%dma_start3A_80 : memref<2x128xi32, #tpu.memory_space<hbm>>) target(%dma_start3A_78 : memref<2x128xi32, #tpu.memory_space<vmem>>) target_semaphore(%arg7 : memref<!tpu.dma_semaphore, #tpu.memory_space<semaphore_mem>>)
    %while3A = arith.constant 0 : i32
    %while3A_81 = arith.constant 0 : i32
    %while3A_82 = arith.subi %add3A_4, %while3A_81 : i32
    %while3A_83 = arith.addi %while3A_81, %while3A_82 : i32
    %while3A_84 = arith.constant 1 : i32
    %while3A_85 = arith.divsi %while3A_82, %while3A_84 : i32
    %while3A_86 = arith.muli %while3A_85, %while3A_84 : i32
    %while3A_87 = arith.addi %while3A_81, %while3A_86 : i32
    %while3A_88 = arith.constant 1 : i32
    scf.for %while3A_95 = %while3A_81 to %while3A_87 step %while3A_88  : i32 {
      %rem3A = arith.constant 4 : i32
      %rem3A_96 = arith.remsi %while3A_95, %rem3A : i32
      %mul3A_97 = arith.constant 32 : i32
      %mul3A_98 = arith.muli %while3A_95, %mul3A_97 : i32
      %add3A_99 = arith.addi %mul3A_98, %add3A : i32
      %mul3A_100 = arith.constant 128 : i32
      %mul3A_101 = arith.muli %add3A_99, %mul3A_100 : i32
      %dma_wait3A = arith.constant 0 : i32
      %dma_wait3A_102 = arith.constant 0 : i32
      %dma_wait3A_103 = tpu.memref_slice %arg5[%rem3A_96, %dma_wait3A, %dma_wait3A_102] : memref<4x2x128xi32, #tpu.memory_space<vmem>> -> memref<1x2x128xi32, #tpu.memory_space<vmem>>
      %dma_wait3A_104 = tpu.memref_squeeze %dma_wait3A_103 : memref<1x2x128xi32, #tpu.memory_space<vmem>> -> memref<2x128xi32, #tpu.memory_space<vmem>>
      %dma_wait3A_105 = arith.constant 0 : i32
      %dma_wait3A_106 = tpu.memref_slice %arg2[%dma_wait3A_105, %mul3A_101] : memref<2x320000xi32, #tpu.memory_space<hbm>> -> memref<2x128xi32, #tpu.memory_space<hbm>>
      %dma_wait3A_107 = arith.constant 0 : i32
      %dma_wait3A_108 = arith.constant 0 : i32
      %dma_wait3A_109 = tpu.memref_slice %arg5[%rem3A_96, %dma_wait3A_107, %dma_wait3A_108] : memref<4x2x128xi32, #tpu.memory_space<vmem>> -> memref<1x2x128xi32, #tpu.memory_space<vmem>>
      %dma_wait3A_110 = tpu.memref_squeeze %dma_wait3A_109 : memref<1x2x128xi32, #tpu.memory_space<vmem>> -> memref<2x128xi32, #tpu.memory_space<vmem>>
      %dma_wait3A_111 = arith.constant 0 : i32
      %dma_wait3A_112 = tpu.memref_slice %arg2[%dma_wait3A_111, %mul3A_101] : memref<2x320000xi32, #tpu.memory_space<hbm>> -> memref<2x128xi32, #tpu.memory_space<hbm>>
      tpu.wait_dma2 semaphore(%arg7 : memref<!tpu.dma_semaphore, #tpu.memory_space<semaphore_mem>>) src(%dma_wait3A_112 : memref<2x128xi32, #tpu.memory_space<hbm>>) dst(%dma_wait3A_110 : memref<2x128xi32, #tpu.memory_space<vmem>>)
      %run_scoped3A = arith.constant 1 : i32
      "tpu.region"() ({
        %run_scoped3A_117 = tpu.sem_alloc : memref<!tpu.dma_semaphore, #tpu.memory_space<semaphore_mem>>
        %dma_start3A_118 = arith.constant 0 : i32
        %dma_start3A_119 = tpu.memref_slice %arg5[%rem3A_96, %run_scoped3A, %dma_start3A_118] : memref<4x2x128xi32, #tpu.memory_space<vmem>> -> memref<1x1x128xi32, #tpu.memory_space<vmem>>
        %dma_start3A_120 = tpu.memref_squeeze %dma_start3A_119 : memref<1x1x128xi32, #tpu.memory_space<vmem>> -> memref<128xi32, #tpu.memory_space<vmem>>
        %dma_start3A_121 = arith.constant 0 : i32
        %dma_start3A_122 = tpu.memref_slice %arg8[%dma_start3A_121] : memref<10240xf32, #tpu.memory_space<vmem_shared>> -> memref<10240xf32, #tpu.memory_space<vmem_shared>>
        tpu.enqueue_indirect_dma source(%arg6 : memref<128xf32, #tpu.memory_space<vmem>>) target(%dma_start3A_122 : memref<10240xf32, #tpu.memory_space<vmem_shared>>) offsets(%dma_start3A_120 : memref<128xi32, #tpu.memory_space<vmem>>) semaphore(%run_scoped3A_117 : memref<!tpu.dma_semaphore, #tpu.memory_space<semaphore_mem>>) {add = true}
        %dma_wait3A_123 = arith.constant 0 : i32
        %dma_wait3A_124 = tpu.memref_slice %arg5[%rem3A_96, %run_scoped3A, %dma_wait3A_123] : memref<4x2x128xi32, #tpu.memory_space<vmem>> -> memref<1x1x128xi32, #tpu.memory_space<vmem>>
        %dma_wait3A_125 = tpu.memref_squeeze %dma_wait3A_124 : memref<1x1x128xi32, #tpu.memory_space<vmem>> -> memref<128xi32, #tpu.memory_space<vmem>>
        %dma_wait3A_126 = arith.constant 0 : i32
        %dma_wait3A_127 = tpu.memref_slice %arg8[%dma_wait3A_126] : memref<10240xf32, #tpu.memory_space<vmem_shared>> -> memref<10240xf32, #tpu.memory_space<vmem_shared>>
        tpu.wait_indirect_dma semaphore(%run_scoped3A_117 : memref<!tpu.dma_semaphore, #tpu.memory_space<semaphore_mem>>) src(%arg6 : memref<128xf32, #tpu.memory_space<vmem>>) dst(%dma_wait3A_127 : memref<10240xf32, #tpu.memory_space<vmem_shared>>)
        tpu.yield
      }) : () -> ()
      %add3A_113 = arith.constant 4 : i32
      %add3A_114 = arith.addi %while3A_95, %add3A_113 : i32
      %lt3A_115 = arith.cmpi slt, %add3A_114, %add3A_4 : i32
      %convert_element_type3A = arith.extui %lt3A_115 : i1 to i32
      %cond3A = arith.constant 0 : i32
      %cond3A_116 = arith.cmpi ne, %convert_element_type3A, %cond3A : i32
      scf.if %cond3A_116 {
        %add3A_117 = arith.constant 4 : i32
        %add3A_118 = arith.addi %while3A_95, %add3A_117 : i32
        %mul3A_119 = arith.constant 32 : i32
        %mul3A_120 = arith.muli %add3A_118, %mul3A_119 : i32
        %add3A_121 = arith.addi %mul3A_120, %add3A : i32
        %mul3A_122 = arith.constant 128 : i32
        %mul3A_123 = arith.muli %add3A_121, %mul3A_122 : i32
        %dma_start3A_124 = arith.constant 0 : i32
        %dma_start3A_125 = arith.constant 0 : i32
        %dma_start3A_126 = tpu.memref_slice %arg5[%rem3A_96, %dma_start3A_124, %dma_start3A_125] : memref<4x2x128xi32, #tpu.memory_space<vmem>> -> memref<1x2x128xi32, #tpu.memory_space<vmem>>
        %dma_start3A_127 = tpu.memref_squeeze %dma_start3A_126 : memref<1x2x128xi32, #tpu.memory_space<vmem>> -> memref<2x128xi32, #tpu.memory_space<vmem>>
        %dma_start3A_128 = arith.constant 0 : i32
        %dma_start3A_129 = tpu.memref_slice %arg2[%dma_start3A_128, %mul3A_123] : memref<2x320000xi32, #tpu.memory_space<hbm>> -> memref<2x128xi32, #tpu.memory_space<hbm>>
        %dma_start3A_130 = arith.constant 0 : i32
        %dma_start3A_131 = arith.constant 0 : i32
        %dma_start3A_132 = tpu.memref_slice %arg5[%rem3A_96, %dma_start3A_130, %dma_start3A_131] : memref<4x2x128xi32, #tpu.memory_space<vmem>> -> memref<1x2x128xi32, #tpu.memory_space<vmem>>
        %dma_start3A_133 = tpu.memref_squeeze %dma_start3A_132 : memref<1x2x128xi32, #tpu.memory_space<vmem>> -> memref<2x128xi32, #tpu.memory_space<vmem>>
        %dma_start3A_134 = arith.constant 0 : i32
        %dma_start3A_135 = tpu.memref_slice %arg2[%dma_start3A_134, %mul3A_123] : memref<2x320000xi32, #tpu.memory_space<hbm>> -> memref<2x128xi32, #tpu.memory_space<hbm>>
        tpu.enqueue_dma source(%dma_start3A_135 : memref<2x128xi32, #tpu.memory_space<hbm>>) target(%dma_start3A_133 : memref<2x128xi32, #tpu.memory_space<vmem>>) target_semaphore(%arg7 : memref<!tpu.dma_semaphore, #tpu.memory_space<semaphore_mem>>)
      } else {
      }
    }
    %while3A_89 = arith.constant 1 : i32
    scf.for %while3A_95 = %while3A_87 to %while3A_83 step %while3A_89  : i32 {
      %rem3A = arith.constant 4 : i32
      %rem3A_96 = arith.remsi %while3A_95, %rem3A : i32
      %mul3A_97 = arith.constant 32 : i32
      %mul3A_98 = arith.muli %while3A_95, %mul3A_97 : i32
      %add3A_99 = arith.addi %mul3A_98, %add3A : i32
      %mul3A_100 = arith.constant 128 : i32
      %mul3A_101 = arith.muli %add3A_99, %mul3A_100 : i32
      %dma_wait3A = arith.constant 0 : i32
      %dma_wait3A_102 = arith.constant 0 : i32
      %dma_wait3A_103 = tpu.memref_slice %arg5[%rem3A_96, %dma_wait3A, %dma_wait3A_102] : memref<4x2x128xi32, #tpu.memory_space<vmem>> -> memref<1x2x128xi32, #tpu.memory_space<vmem>>
      %dma_wait3A_104 = tpu.memref_squeeze %dma_wait3A_103 : memref<1x2x128xi32, #tpu.memory_space<vmem>> -> memref<2x128xi32, #tpu.memory_space<vmem>>
      %dma_wait3A_105 = arith.constant 0 : i32
      %dma_wait3A_106 = tpu.memref_slice %arg2[%dma_wait3A_105, %mul3A_101] : memref<2x320000xi32, #tpu.memory_space<hbm>> -> memref<2x128xi32, #tpu.memory_space<hbm>>
      %dma_wait3A_107 = arith.constant 0 : i32
      %dma_wait3A_108 = arith.constant 0 : i32
      %dma_wait3A_109 = tpu.memref_slice %arg5[%rem3A_96, %dma_wait3A_107, %dma_wait3A_108] : memref<4x2x128xi32, #tpu.memory_space<vmem>> -> memref<1x2x128xi32, #tpu.memory_space<vmem>>
      %dma_wait3A_110 = tpu.memref_squeeze %dma_wait3A_109 : memref<1x2x128xi32, #tpu.memory_space<vmem>> -> memref<2x128xi32, #tpu.memory_space<vmem>>
      %dma_wait3A_111 = arith.constant 0 : i32
      %dma_wait3A_112 = tpu.memref_slice %arg2[%dma_wait3A_111, %mul3A_101] : memref<2x320000xi32, #tpu.memory_space<hbm>> -> memref<2x128xi32, #tpu.memory_space<hbm>>
      tpu.wait_dma2 semaphore(%arg7 : memref<!tpu.dma_semaphore, #tpu.memory_space<semaphore_mem>>) src(%dma_wait3A_112 : memref<2x128xi32, #tpu.memory_space<hbm>>) dst(%dma_wait3A_110 : memref<2x128xi32, #tpu.memory_space<vmem>>)
      %run_scoped3A = arith.constant 1 : i32
      "tpu.region"() ({
        %run_scoped3A_117 = tpu.sem_alloc : memref<!tpu.dma_semaphore, #tpu.memory_space<semaphore_mem>>
        %dma_start3A_118 = arith.constant 0 : i32
        %dma_start3A_119 = tpu.memref_slice %arg5[%rem3A_96, %run_scoped3A, %dma_start3A_118] : memref<4x2x128xi32, #tpu.memory_space<vmem>> -> memref<1x1x128xi32, #tpu.memory_space<vmem>>
        %dma_start3A_120 = tpu.memref_squeeze %dma_start3A_119 : memref<1x1x128xi32, #tpu.memory_space<vmem>> -> memref<128xi32, #tpu.memory_space<vmem>>
        %dma_start3A_121 = arith.constant 0 : i32
        %dma_start3A_122 = tpu.memref_slice %arg8[%dma_start3A_121] : memref<10240xf32, #tpu.memory_space<vmem_shared>> -> memref<10240xf32, #tpu.memory_space<vmem_shared>>
        tpu.enqueue_indirect_dma source(%arg6 : memref<128xf32, #tpu.memory_space<vmem>>) target(%dma_start3A_122 : memref<10240xf32, #tpu.memory_space<vmem_shared>>) offsets(%dma_start3A_120 : memref<128xi32, #tpu.memory_space<vmem>>) semaphore(%run_scoped3A_117 : memref<!tpu.dma_semaphore, #tpu.memory_space<semaphore_mem>>) {add = true}
        %dma_wait3A_123 = arith.constant 0 : i32
        %dma_wait3A_124 = tpu.memref_slice %arg5[%rem3A_96, %run_scoped3A, %dma_wait3A_123] : memref<4x2x128xi32, #tpu.memory_space<vmem>> -> memref<1x1x128xi32, #tpu.memory_space<vmem>>
        %dma_wait3A_125 = tpu.memref_squeeze %dma_wait3A_124 : memref<1x1x128xi32, #tpu.memory_space<vmem>> -> memref<128xi32, #tpu.memory_space<vmem>>
        %dma_wait3A_126 = arith.constant 0 : i32
        %dma_wait3A_127 = tpu.memref_slice %arg8[%dma_wait3A_126] : memref<10240xf32, #tpu.memory_space<vmem_shared>> -> memref<10240xf32, #tpu.memory_space<vmem_shared>>
        tpu.wait_indirect_dma semaphore(%run_scoped3A_117 : memref<!tpu.dma_semaphore, #tpu.memory_space<semaphore_mem>>) src(%arg6 : memref<128xf32, #tpu.memory_space<vmem>>) dst(%dma_wait3A_127 : memref<10240xf32, #tpu.memory_space<vmem_shared>>)
        tpu.yield
      }) : () -> ()
      %add3A_113 = arith.constant 4 : i32
      %add3A_114 = arith.addi %while3A_95, %add3A_113 : i32
      %lt3A_115 = arith.cmpi slt, %add3A_114, %add3A_4 : i32
      %convert_element_type3A = arith.extui %lt3A_115 : i1 to i32
      %cond3A = arith.constant 0 : i32
      %cond3A_116 = arith.cmpi ne, %convert_element_type3A, %cond3A : i32
      scf.if %cond3A_116 {
        %add3A_117 = arith.constant 4 : i32
        %add3A_118 = arith.addi %while3A_95, %add3A_117 : i32
        %mul3A_119 = arith.constant 32 : i32
        %mul3A_120 = arith.muli %add3A_118, %mul3A_119 : i32
        %add3A_121 = arith.addi %mul3A_120, %add3A : i32
        %mul3A_122 = arith.constant 128 : i32
        %mul3A_123 = arith.muli %add3A_121, %mul3A_122 : i32
        %dma_start3A_124 = arith.constant 0 : i32
        %dma_start3A_125 = arith.constant 0 : i32
        %dma_start3A_126 = tpu.memref_slice %arg5[%rem3A_96, %dma_start3A_124, %dma_start3A_125] : memref<4x2x128xi32, #tpu.memory_space<vmem>> -> memref<1x2x128xi32, #tpu.memory_space<vmem>>
        %dma_start3A_127 = tpu.memref_squeeze %dma_start3A_126 : memref<1x2x128xi32, #tpu.memory_space<vmem>> -> memref<2x128xi32, #tpu.memory_space<vmem>>
        %dma_start3A_128 = arith.constant 0 : i32
        %dma_start3A_129 = tpu.memref_slice %arg2[%dma_start3A_128, %mul3A_123] : memref<2x320000xi32, #tpu.memory_space<hbm>> -> memref<2x128xi32, #tpu.memory_space<hbm>>
        %dma_start3A_130 = arith.constant 0 : i32
        %dma_start3A_131 = arith.constant 0 : i32
        %dma_start3A_132 = tpu.memref_slice %arg5[%rem3A_96, %dma_start3A_130, %dma_start3A_131] : memref<4x2x128xi32, #tpu.memory_space<vmem>> -> memref<1x2x128xi32, #tpu.memory_space<vmem>>
        %dma_start3A_133 = tpu.memref_squeeze %dma_start3A_132 : memref<1x2x128xi32, #tpu.memory_space<vmem>> -> memref<2x128xi32, #tpu.memory_space<vmem>>
        %dma_start3A_134 = arith.constant 0 : i32
        %dma_start3A_135 = tpu.memref_slice %arg2[%dma_start3A_134, %mul3A_123] : memref<2x320000xi32, #tpu.memory_space<hbm>> -> memref<2x128xi32, #tpu.memory_space<hbm>>
        tpu.enqueue_dma source(%dma_start3A_135 : memref<2x128xi32, #tpu.memory_space<hbm>>) target(%dma_start3A_133 : memref<2x128xi32, #tpu.memory_space<vmem>>) target_semaphore(%arg7 : memref<!tpu.dma_semaphore, #tpu.memory_space<semaphore_mem>>)
      } else {
      }
    }
    %barrier3A_90 = arith.constant 0 : index
    tpu.barrier barrier_id(%barrier3A_90)
    %mul3A_91 = arith.constant 640 : i32
    %mul3A_92 = arith.muli %arg1, %mul3A_91 : i32
    %mul3A_93 = arith.constant 640 : i32
    %mul3A_94 = arith.muli %arg1, %mul3A_93 : i32
    "tpu.region"() ({
      %run_scoped3A = tpu.sem_alloc : memref<!tpu.dma_semaphore, #tpu.memory_space<semaphore_mem>>
      %dma_start3A_95 = tpu.memref_slice %arg4[%arg0, %mul3A_94] : memref<2x10240xf32, #tpu.memory_space<hbm>> -> memref<1x640xf32, #tpu.memory_space<hbm>>
      %dma_start3A_96 = tpu.memref_squeeze %dma_start3A_95 : memref<1x640xf32, #tpu.memory_space<hbm>> -> memref<640xf32, #tpu.memory_space<hbm>>
      %dma_start3A_97 = tpu.memref_slice %arg8[%mul3A_92] : memref<10240xf32, #tpu.memory_space<vmem_shared>> -> memref<640xf32, #tpu.memory_space<vmem_shared>>
      tpu.enqueue_dma source(%dma_start3A_97 : memref<640xf32, #tpu.memory_space<vmem_shared>>) target(%dma_start3A_96 : memref<640xf32, #tpu.memory_space<hbm>>) target_semaphore(%run_scoped3A : memref<!tpu.dma_semaphore, #tpu.memory_space<semaphore_mem>>)
      %dma_wait3A = tpu.memref_slice %arg4[%arg0, %mul3A_94] : memref<2x10240xf32, #tpu.memory_space<hbm>> -> memref<1x640xf32, #tpu.memory_space<hbm>>
      %dma_wait3A_98 = tpu.memref_squeeze %dma_wait3A : memref<1x640xf32, #tpu.memory_space<hbm>> -> memref<640xf32, #tpu.memory_space<hbm>>
      %dma_wait3A_99 = tpu.memref_slice %arg8[%mul3A_92] : memref<10240xf32, #tpu.memory_space<vmem_shared>> -> memref<640xf32, #tpu.memory_space<vmem_shared>>
      tpu.wait_dma2 semaphore(%run_scoped3A : memref<!tpu.dma_semaphore, #tpu.memory_space<semaphore_mem>>) src(%dma_wait3A_99 : memref<640xf32, #tpu.memory_space<vmem_shared>>) dst(%dma_wait3A_98 : memref<640xf32, #tpu.memory_space<hbm>>)
      tpu.yield
    }) : () -> ()
    return
  }
}

module attributes {stable_mosaic.version = 14 : i64} {
  func.func @_final_body(%arg0: i32, %arg1: memref<2x512x128xf32, #tpu.memory_space<vmem>>, %arg2: memref<512x128xf32, #tpu.memory_space<vmem>>, %arg3: memref<2x512xf32, #tpu.memory_space<vmem>>, %arg4: memref<128x128xf32, #tpu.memory_space<vmem>>, %arg5: memref<1x128xf32, #tpu.memory_space<vmem>>, %arg6: memref<512x128xf32, #tpu.memory_space<vmem>>) attributes {dimension_semantics = [#tpu.dimension_semantics<arbitrary>], iteration_bounds = array<i64: 20>, scalar_prefetch = 0 : i64, scratch_operands = 0 : i64, tpu.core_type = #tpu.core_type<tc>, window_params = [{transform_indices = @transform_0, window_bounds = array<i64: 2, 512, 128>}, {transform_indices = @transform_1, window_bounds = array<i64: 512, 128>}, {transform_indices = @transform_2, window_bounds = array<i64: 2, 512>}, {pipeline_mode = #tpu.pipeline_mode<synchronous>, transform_indices = @transform_3, window_bounds = array<i64: 128, 128>}, {pipeline_mode = #tpu.pipeline_mode<synchronous>, transform_indices = @transform_4, window_bounds = array<i64: 1, 128>}, {transform_indices = @transform_5, window_bounds = array<i64: 512, 128>}]} {
    %get3A = arith.constant 0 : index
    %get3A_0 = arith.constant 0 : index
    %get3A_1 = vector.load %arg3[%get3A, %get3A_0] : memref<2x512xf32, #tpu.memory_space<vmem>>, vector<2x512xf32>
    %slice3A = vector.extract_strided_slice %get3A_1 {offsets = [0, 0], sizes = [1, 512], strides = [1, 1]} : vector<2x512xf32> to vector<1x512xf32>
    %slice3A_2 = vector.extract_strided_slice %get3A_1 {offsets = [1, 0], sizes = [1, 512], strides = [1, 1]} : vector<2x512xf32> to vector<1x512xf32>
    %add3A = arith.addf %slice3A, %slice3A_2 : vector<1x512xf32>
    %add3A_3 = arith.constant 1.000000e+00 : f32
    %add3A_4 = vector.broadcast %add3A_3 : f32 to vector<1x512xf32>
    %add3A_5 = arith.addf %add3A, %add3A_4 : vector<1x512xf32>
    %rsqrt3A = math.rsqrt %add3A_5 : vector<1x512xf32>
    %get3A_6 = arith.constant 0 : index
    %get3A_7 = arith.constant 0 : index
    %get3A_8 = arith.constant 0 : index
    %get3A_9 = vector.load %arg1[%get3A_6, %get3A_7, %get3A_8] : memref<2x512x128xf32, #tpu.memory_space<vmem>>, vector<1x512x128xf32>
    %get3A_10 = vector.shape_cast %get3A_9 : vector<1x512x128xf32> to vector<512x128xf32>
    %get3A_11 = arith.constant 1 : index
    %get3A_12 = arith.constant 0 : index
    %get3A_13 = arith.constant 0 : index
    %get3A_14 = vector.load %arg1[%get3A_11, %get3A_12, %get3A_13] : memref<2x512x128xf32, #tpu.memory_space<vmem>>, vector<1x512x128xf32>
    %get3A_15 = vector.shape_cast %get3A_14 : vector<1x512x128xf32> to vector<512x128xf32>
    %add3A_16 = arith.addf %get3A_10, %get3A_15 : vector<512x128xf32>
    %get3A_17 = arith.constant 0 : index
    %get3A_18 = arith.constant 0 : index
    %get3A_19 = vector.load %arg2[%get3A_17, %get3A_18] : memref<512x128xf32, #tpu.memory_space<vmem>>, vector<512x128xf32>
    %add3A_20 = arith.addf %add3A_16, %get3A_19 : vector<512x128xf32>
    %transpose3A = tpu.transpose %rsqrt3A, [1, 0] : vector<1x512xf32> -> vector<512x1xf32>
    %mul3A = vector.broadcast %transpose3A : vector<512x1xf32> to vector<512x128xf32>
    %mul3A_21 = arith.mulf %add3A_20, %mul3A : vector<512x128xf32>
    %get3A_22 = arith.constant 0 : index
    %get3A_23 = arith.constant 0 : index
    %get3A_24 = vector.load %arg4[%get3A_22, %get3A_23] : memref<128x128xf32, #tpu.memory_space<vmem>>, vector<128x128xf32>
    %dot_general3A = arith.constant dense<0.000000e+00> : vector<512x128xf32>
    %dot_general3A_25 = tpu.matmul %mul3A_21, %get3A_24, %dot_general3A {dimension_numbers = #tpu.dot_dimension_numbers<[1], [0], [0], [1], [0, 0, 1, 1], [], []>, transpose_lhs_hint = false} : vector<512x128xf32>, vector<128x128xf32>, vector<512x128xf32> -> vector<512x128xf32>
    %get3A_26 = arith.constant 0 : index
    %get3A_27 = arith.constant 0 : index
    %get3A_28 = vector.load %arg5[%get3A_26, %get3A_27] : memref<1x128xf32, #tpu.memory_space<vmem>>, vector<1x128xf32>
    %add3A_29 = vector.broadcast %get3A_28 : vector<1x128xf32> to vector<512x128xf32>
    %add3A_30 = arith.addf %dot_general3A_25, %add3A_29 : vector<512x128xf32>
    %swap3A = arith.constant 0 : index
    %swap3A_31 = arith.constant 0 : index
    %swap3A_32 = vector.load %arg6[%swap3A, %swap3A_31] : memref<512x128xf32, #tpu.memory_space<vmem>>, vector<512x128xf32>
    tpu.vector_store %arg6[%swap3A, %swap3A_31], %add3A_30 {strides = array<i32>} : memref<512x128xf32, #tpu.memory_space<vmem>>, vector<512x128xf32>,
    return
  }
  func.func @transform_0(%arg0: i32) -> (i32, i32, i32) {
    %c0_i32 = arith.constant 0 : i32
    %c0_i32_0 = arith.constant 0 : i32
    %c0_i32_1 = arith.constant 0 : i32
    return %c0_i32, %arg0, %c0_i32_0 : i32, i32, i32
  }
  func.func @transform_1(%arg0: i32) -> (i32, i32) {
    %c0_i32 = arith.constant 0 : i32
    %c0_i32_0 = arith.constant 0 : i32
    return %arg0, %c0_i32 : i32, i32
  }
  func.func @transform_2(%arg0: i32) -> (i32, i32) {
    %c0_i32 = arith.constant 0 : i32
    %c0_i32_0 = arith.constant 0 : i32
    return %c0_i32, %arg0 : i32, i32
  }
  func.func @transform_3(%arg0: i32) -> (i32, i32) {
    %c0_i32 = arith.constant 0 : i32
    %c0_i32_0 = arith.constant 0 : i32
    %c0_i32_1 = arith.constant 0 : i32
    return %c0_i32, %c0_i32_0 : i32, i32
  }
  func.func @transform_4(%arg0: i32) -> (i32, i32) {
    %c0_i32 = arith.constant 0 : i32
    %c0_i32_0 = arith.constant 0 : i32
    %c0_i32_1 = arith.constant 0 : i32
    return %c0_i32, %c0_i32_0 : i32, i32
  }
  func.func @transform_5(%arg0: i32) -> (i32, i32) {
    %c0_i32 = arith.constant 0 : i32
    %c0_i32_0 = arith.constant 0 : i32
    return %arg0, %c0_i32 : i32, i32
  }
}

module attributes {stable_mosaic.version = 14 : i64} {
  func.func @_scale_body(%arg0: i32, %arg1: memref<512x128xf32, #tpu.memory_space<vmem>>, %arg2: memref<2x512xf32, #tpu.memory_space<vmem>>, %arg3: memref<512x128xf32, #tpu.memory_space<vmem>>) attributes {dimension_semantics = [#tpu.dimension_semantics<arbitrary>], iteration_bounds = array<i64: 20>, scalar_prefetch = 0 : i64, scratch_operands = 0 : i64, tpu.core_type = #tpu.core_type<tc>, window_params = [{transform_indices = @transform_0, window_bounds = array<i64: 512, 128>}, {transform_indices = @transform_1, window_bounds = array<i64: 2, 512>}, {transform_indices = @transform_2, window_bounds = array<i64: 512, 128>}]} {
    %get3A = arith.constant 0 : index
    %get3A_0 = arith.constant 0 : index
    %get3A_1 = vector.load %arg2[%get3A, %get3A_0] : memref<2x512xf32, #tpu.memory_space<vmem>>, vector<2x512xf32>
    %slice3A = vector.extract_strided_slice %get3A_1 {offsets = [0, 0], sizes = [1, 512], strides = [1, 1]} : vector<2x512xf32> to vector<1x512xf32>
    %slice3A_2 = vector.extract_strided_slice %get3A_1 {offsets = [1, 0], sizes = [1, 512], strides = [1, 1]} : vector<2x512xf32> to vector<1x512xf32>
    %add3A = arith.addf %slice3A, %slice3A_2 : vector<1x512xf32>
    %add3A_3 = arith.constant 1.000000e+00 : f32
    %add3A_4 = vector.broadcast %add3A_3 : f32 to vector<1x512xf32>
    %add3A_5 = arith.addf %add3A, %add3A_4 : vector<1x512xf32>
    %rsqrt3A = math.rsqrt %add3A_5 : vector<1x512xf32>
    %get3A_6 = arith.constant 0 : index
    %get3A_7 = arith.constant 0 : index
    %get3A_8 = vector.load %arg1[%get3A_6, %get3A_7] : memref<512x128xf32, #tpu.memory_space<vmem>>, vector<512x128xf32>
    %transpose3A = tpu.transpose %rsqrt3A, [1, 0] : vector<1x512xf32> -> vector<512x1xf32>
    %mul3A = vector.broadcast %transpose3A : vector<512x1xf32> to vector<512x128xf32>
    %mul3A_9 = arith.mulf %get3A_8, %mul3A : vector<512x128xf32>
    %swap3A = arith.constant 0 : index
    %swap3A_10 = arith.constant 0 : index
    %swap3A_11 = vector.load %arg3[%swap3A, %swap3A_10] : memref<512x128xf32, #tpu.memory_space<vmem>>, vector<512x128xf32>
    tpu.vector_store %arg3[%swap3A, %swap3A_10], %mul3A_9 {strides = array<i32>} : memref<512x128xf32, #tpu.memory_space<vmem>>, vector<512x128xf32>,
    return
  }
  func.func @transform_0(%arg0: i32) -> (i32, i32) {
    %c0_i32 = arith.constant 0 : i32
    %c0_i32_0 = arith.constant 0 : i32
    return %arg0, %c0_i32 : i32, i32
  }
  func.func @transform_1(%arg0: i32) -> (i32, i32) {
    %c0_i32 = arith.constant 0 : i32
    %c0_i32_0 = arith.constant 0 : i32
    return %c0_i32, %arg0 : i32, i32
  }
  func.func @transform_2(%arg0: i32) -> (i32, i32) {
    %c0_i32 = arith.constant 0 : i32
    %c0_i32_0 = arith.constant 0 : i32
    return %arg0, %c0_i32 : i32, i32
  }
}

</mosaic_0001>

<sc_bundles>
// kernel: kernel.6.cloned.1.call-start
scs
__scs_entry_jumppad:
0x0: {  	(pc) =	sbr.rel $0x88, $3  }
0x1: {  	(tag) =	ssettag $0x0;
	lr =	simm.s32 $0x1  }
0x2: {  	[smem:$0x3F9D] =	sst lr;
	_ =	strace $0xD0000000  }
0x3: {  	_ = 	snop  }
0x4: {  	_ = 	snop  }
0x5: {  	_ = 	snop  }
0x6: {  	_ = 	snop  }
0x7: {  	_ = 	snop  }
__scs_overlays_trampoline_lowered:
0x8: {  	[smem:$0x3FAC] =	sst s0  }
0x9: {  	[smem:$0x3FAD] =	sst s1  }
0xa: {  	[smem:$0x3FAE] =	sst s2  }
0xb: {  	[smem:$0x3FAF] =	sst s3  }
0xc: {  	[smem:$0x3FB0] =	sst s4  }
0xd: {  	[smem:$0x3FB1] =	sst s5  }
0xe: {  	[smem:$0x3FB2] =	sst s6  }
0xf: {  	[smem:$0x3FB3] =	sst s7  }
0x10: {  	[smem:$0x3FB4] =	sst s8  }
0x11: {  	[smem:$0x3FB5] =	sst s9;
	s0 =	simm.s32 @!p0 $0x0  }
0x12: {  	s1 =	sld [smem:$0x3F9B];
	s0 =	simm.s32 @p0 $0x1  }
0x13: {  	[smem:$0x3FB6] =	sst s0;
	s0 =	simm.s32 @!p1 $0x0  }
0x14: {  	s2 =	sld [smem:$0x3F9A];
	s0 =	simm.s32 @p1 $0x1  }
0x15: {  	[smem:$0x3FB7] =	sst s0;
	s0 =	simm.s32 @!p2 $0x0  }
0x16: {  	s3 =	sld [smem:$0x3FDB];
	s0 =	simm.s32 @p2 $0x1  }
0x17: {  	s4 =	simm.s32 $0x1BF5;
	[smem:$0x3FB9] =	sst s0  }
0x18: {  	s0 =	sld [smem:$0x3F9C];
	_ =	swait.ge [sflag:s4], $0x0  }
0x19: {  	s7 =	sld [smem:$0x3F9D]  }
0x1a: {  	s8 =	sadd.s32 $0xFFFFE003, lr  }
0x1b: {  	s9 =	sadd.s32 $0xFFFFFEF7, lr;
	s5 =	simm.s32 $0xFFFFFFFF;
	p2 =	slt.u32 s8, $0xFFFFF086  }
0x1c: {  	p1 =	slt.u32 s9, $0xF7A;
	s5 =	simm.s32 @!p2 $0x0  }
0x1d: {  	s5 =	simm.s32 @p1 $0x1;
	p0 =	seq.s32 s7, s2  }
0x1e: {  	s7 =	smul.u32 @!p0 $0xF7A, s2;
	p2 =	seq.s32 @!p0 s5, $0x0  }
0x1f: {  	s9 =	smul.u32 $0xF7A, s1;
	s8 =	simm.s32 @!p0 $0x1BF5;
	p2 =	por !p2, p0  }
0x20: {  	[sflag:s8] =	ssyncset.s32 @!p0 $0xFFFFF086;
	s6 =	sadd.s32 @!p0 s3, s7;
	s7 =	simm.s32 @!p0 $0x108  }
0x21: {  	s3 =	sadd.s32 s3, s9;
	s6 =	sadd.s32 @!p0 $0x88, s6;
	s7 =	simm.s32 @p2 $0x1082  }
0x22: {  	[simem:s7], [sflag:s8] =	dma.local @!p0 [hbm:s6], $0xF7A  }
0x23: {  	s9 =	sor.u32 $0xD0000000, s2;
	s6 =	simm.s32 $0x108;
	_ =	swait.ge @!p0 [sflag:s8], $0x0  }
0x24: {  	s3 =	sadd.s32 $0x88, s3;
	s6 =	simm.s32 @!p1 $0x1082;
	[sflag:s4] =	ssyncset.s32 $0xFFFFF086  }
0x25: {  	[simem:s6], [sflag:s4] =	dma.local [hbm:s3], $0xF7A  }
0x26: {  	[smem:$0x3F9D] =	sst s1;
	(tag) =	ssettag s2;
	_ =	strace s9  }
0x27: {  	s1 =	sld [smem:$0x3FAD]  }
0x28: {  	s2 =	sld [smem:$0x3FAE]  }
0x29: {  	s4 =	sld [smem:$0x3FB0]  }
0x2a: {  	p0 =	seq.s32 s5, $0x0;
	s5 =	sld [smem:$0x3FB1]  }
0x2b: {  	s6 =	sld [smem:$0x3FB2]  }
0x2c: {  	s7 =	sld [smem:$0x3FB3]  }
0x2d: {  	s3 =	simm.s32 $0x108;
	s8 =	sld [smem:$0x3FB4]  }
0x2e: {  	s3 =	simm.s32 @!p0 $0x1082;
	s9 =	sld [smem:$0x3FB5]  }
0x2f: {  	lr =	sadd.s32 s0, s3;
	s0 =	sld [smem:$0x3FAC]  }
0x30: {  	s3 =	sld [smem:$0x3FAF]  }
0x31: {  	[smem:$0x3FB8] =	sst s10  }
0x32: {  	s10 =	sld [smem:$0x3FB6];
	_ =	sdelay $0x3  }
0x33: {  	p0 =	seq.s32 s10, $0x1;
	s10 =	sld [smem:$0x3FB8];
	_ =	sdelay $0x3  }
0x34: {  	[smem:$0x3FB8] =	sst s10  }
0x35: {  	s10 =	sld [smem:$0x3FB7];
	_ =	sdelay $0x3  }
0x36: {  	p1 =	seq.s32 s10, $0x1;
	s10 =	sld [smem:$0x3FB8];
	_ =	sdelay $0x3  }
0x37: {  	[smem:$0x3FB8] =	sst s10  }
0x38: {  	s10 =	sld [smem:$0x3FB9]  }
0x39: {  	_ = 	snop;
	(pc) =	sbr.ind lr, $3  }
0x3a: {  	_ = 	snop  }
0x3b: {  	_ = 	snop  }
0x3c: {  	p2 =	seq.s32 s10, $0x1;
	s10 =	sld [smem:$0x3FB8]  }
0x3d: {  	_ =	shalt  }
0x3e: {  	_ =	shalt  }
0x3f: {  	_ =	shalt  }
0x40: {  	_ =	shalt  }
0x41: {  	_ =	shalt  }
0x42: {  	_ =	shalt  }
0x43: {  	_ =	shalt  }
0x44: {  	_ =	shalt  }
0x45: {  	_ =	shalt  }
0x46: {  	_ =	shalt  }
0x47: {  	_ =	shalt  }
0x48: {  	_ =	shalt  }
0x49: {  	_ =	shalt  }
0x4a: {  	_ =	shalt  }
0x4b: {  	_ =	shalt  }
0x4c: {  	_ =	shalt  }
0x4d: {  	_ =	shalt  }
0x4e: {  	_ =	shalt  }
0x4f: {  	_ =	shalt  }
0x50: {  	_ =	shalt  }
0x51: {  	_ =	shalt  }
0x52: {  	_ =	shalt  }
0x53: {  	_ =	shalt  }
0x54: {  	_ =	shalt  }
0x55: {  	_ =	shalt  }
0x56: {  	_ =	shalt  }
0x57: {  	_ =	shalt  }
0x58: {  	_ =	shalt  }
0x59: {  	_ =	shalt  }
0x5a: {  	_ =	shalt  }
0x5b: {  	_ =	shalt  }
0x5c: {  	_ =	shalt  }
0x5d: {  	_ =	shalt  }
0x5e: {  	_ =	shalt  }
0x5f: {  	_ =	shalt  }
0x60: {  	_ =	shalt  }
0x61: {  	_ =	shalt  }
0x62: {  	_ =	shalt  }
0x63: {  	_ =	shalt  }
0x64: {  	_ =	shalt  }
0x65: {  	_ =	shalt  }
0x66: {  	_ =	shalt  }
0x67: {  	_ =	shalt  }
0x68: {  	_ =	shalt  }
0x69: {  	_ =	shalt  }
0x6a: {  	_ =	shalt  }
0x6b: {  	_ =	shalt  }
0x6c: {  	_ =	shalt  }
0x6d: {  	_ =	shalt  }
0x6e: {  	_ =	shalt  }
0x6f: {  	_ =	shalt  }
0x70: {  	_ =	shalt  }
0x71: {  	_ =	shalt  }
0x72: {  	_ =	shalt  }
0x73: {  	_ =	shalt  }
0x74: {  	_ =	shalt  }
0x75: {  	_ =	shalt  }
0x76: {  	_ =	shalt  }
0x77: {  	_ =	shalt  }
0x78: {  	_ =	shalt  }
0x79: {  	_ =	shalt  }
0x7a: {  	_ =	shalt  }
0x7b: {  	_ =	shalt  }
0x7c: {  	_ =	shalt  }
0x7d: {  	_ =	shalt  }
0x7e: {  	_ =	shalt  }
0x7f: {  	_ =	shalt  }
0x80: {  	_ =	shalt  }
0x81: {  	_ =	shalt  }
0x82: {  	_ =	shalt  }
0x83: {  	_ =	shalt  }
0x84: {  	_ =	shalt  }
0x85: {  	_ =	shalt  }
0x86: {  	_ =	shalt  }
0x87: {  	_ =	shalt  }
.Lfunc_end0:
.L_simem_size_0:
called_computation_lowered:
.L_overlay_start_0:
0x88: {  	s2 =	sld [smem:$0x3FD9]  }
0x89: {  	s3 =	sld [smem:$0x3FFE];
	_ =	sdelay $0x1  }
0x8a: {  	s1 =	srdreg.scid  }
0x8b: {  	s0 =	sand.u32 $0x1, s1  }
0x8c: {  	s17 =	sshll.u32 s0, $0xA;
	s2 =	sadd.s32 s3, s2  }
0x8d: {  	s2 =	sadd.s32 s2, s17  }
0x8e: {  	[smem:$0x3FC4] =	sst s2  }
0x8f: {  	_ = 	snop  }
0x90: {  	s2 =	sld [smem:$0x3FC8]  }
0x91: {  	s18 =	sld [smem:$0x3FD0];
	(tm) =	ssettm $0x1  }
0x92: {  	s4 =	sld [smem:$0x3FFB];
	_ =	sdelay $0x3  }
0x93: {  	_ =	strace s4  }
0x94: {  	s4 =	sld [smem:$0x3FFC];
	_ =	sdelay $0x3  }
0x95: {  	_ =	strace s4  }
0x96: {  	s4 =	sld [smem:$0x3FFD];
	_ =	sdelay $0x3  }
0x97: {  	_ =	strace s4  }
0x98: {  	_ =	strace $0x8FFFFFFF  }
0x99: {  	s19 =	sld [smem:$0x3FDB];
	_ =	sdelay $0x1  }
0x9a: {  	s5 =	simm.s32 $_scs_section_size  }
0x9b: {  	s6 =	simm.s32 $_size__tile_overlayer_lowered;
	s7 =	simm.s32 $_tile_overlayer_lowered  }
0x9c: {  	s22 =	simm.s32 $0x1BFF;
	s21 =	sshll.u32 s7, $0x1;
	s4 =	sadd.s32 s5, s19  }
0x9d: {  	s8 =	simm.s32 $0x0;
	s20 =	sshll.u32 s6, $0x1;
	s6 =	sadd.s32 s21, s4  }
0x9e: {  	[timem:s8], [sflag:s22] =	dma.local [hbm:s6], s20  }
0x9f: {  	_ =	swait.ge [sflag:s22], s20  }
0xa0: {  	s5 =	ssub.s32 $0x0, s20;
	[sflag:s22] =	ssyncset.done $0x0  }
0xa1: {  	[sflag:s22] =	ssyncadd.s32 s5;
	_ =	sdelay $0x1  }
0xa2: {  	s23 =	simm.s32 $0x1B8B  }
0xa3: {  	_ =	swait.ge [sflag:s23], $0x1  }
0xa4: {  	[sflag:s23] =	ssyncset.done $0x0  }
0xa5: {  	s25 =	simm.s32 $0x1B8E;
	s24 =	sld [smem:$0x3FFE];
	[sflag:s23] =	ssyncadd.s32 $0xFFFFFFFF  }
0xa6: {  	s26 =	simm.s32 $execute0_lowered;
	[smem:$0x3FD2] =	sst s25  }
0xa7: {  	s6 =	sshll.u32 s26, $0x1;
	_ =	strace $0x80000046;
	[dreg:$0x1] =	wrdreg $0xFFFFFFFF  }
0xa8: {  	s28 =	simm.s32 $_size_execute0_lowered;
	s4 =	sadd.s32 s4, s6;
	[dreg:$0x0] =	wrdreg $0x0  }
0xa9: {  	s6 =	sshll.u32 s28, $0x1;
	[dreg:$0x2] =	wrdreg s4  }
0xaa: {  	[dreg:$0x3] =	wrdreg s6  }
0xab: {  	[dreg:$0x4] =	wrdreg $0xC0  }
0xac: {  	_ =	task [dreg:s8], $0x5FFFF  }
0xad: {  	[dreg:$0x1] =	wrdreg $0xFFFFFFFF  }
0xae: {  	[dreg:$0x0] =	wrdreg $0x60  }
0xaf: {  	[dreg:$0x2] =	wrdreg s2  }
0xb0: {  	[dreg:$0x3] =	wrdreg s24  }
0xb1: {  	[dreg:$0x4] =	wrdreg s18  }
0xb2: {  	[dreg:$0x5] =	wrdreg $0x4800  }
0xb3: {  	[dreg:$0x6] =	wrdreg $0x9  }
0xb4: {  	_ =	task.clear_ibuf [dreg:s8], $0x7FFFF;
	_ =	strace $0x90000046  }
0xb5: {  	s29 =	simm.s32 $0x9;
	_ =	strace $0x80000048  }
0xb6: {  	_ =	swait.ge [sflag:s29], $0x1  }
0xb7: {  	[sflag:s29] =	ssyncadd.s32 $0xFFFFFFFF  }
0xb8: {  	_ =	strace $0x90000048  }
0xb9: {  	_ =	sfence  }
0xba: {  	s30 =	sld [smem:$0x0];
	_ =	sdelay $0x2  }
0xbb: {  	s31 =	sshll.u32 s1, $0xD;
	s1 =	sshrl.u32 s1, $0x2  }
0xbc: {  	s3 =	sand.u32 $0x4000, s31;
	s1 =	sadd.s32 s1, s30  }
0xbd: {  	s0 =	sor.u32 s3, s0;
	s1 =	sshll.u32 s1, $0x11  }
0xbe: {  	s0 =	sor.u32 s1, s0  }
0xbf: {  	s0 =	sadd.s32 $0x8F2B, s0  }
0xc0: {  	[sflag:s0] =	ssyncadd.remote.s32 $0x1  }
0xc1: {  	_ =	sfence.sel $0xFFFF  }
0xc2: {  	[dreg:$0x0] =	wrdreg $0xFFFFFFFF;
	(pc) =	sbr.abs _section_cstart, $3  }
0xc3: {  	[dreg:$0x1] =	wrdreg $0xFFFFFFFF  }
0xc4: {  	_ =	task.clear_ibuf [dreg:s8], $0x2FFFF;
	_ =	strace $0x9FFFFFFF  }
0xc5: {  	(tm) =	ssettm $0x7FFFFFFF  }
tec
execute0_lowered:
.L_overlay_start_1:
0x0: {  	(tag) =	ssettag $0x1  }
0x1: {  	s0 =	rddreg [dreg:$0x0]  }
0x2: {  	s5 =	rddreg [dreg:$0x1]  }
0x3: {  	s11 =	rddreg [dreg:$0x2]  }
0x4: {  	s2 =	rddreg [dreg:$0x3];
	s3 =	simm.s32 $0x0;
	s1 =	stileid.u32  }
0x5: {  	s4 =	srdreg.scid;
	s17 =	simm.s32 $0x100;
	s18 =	simm.s32 $0x200  }
0x6: {  	s19 =	simm.s32 $0x300;
	s20 =	simm.s32 $0x1;
	s21 =	simm.s32 $0x80  }
0x7: {  	s22 =	simm.s32 $0x400;
	s23 =	simm.s32 $0x20;
	s24 =	simm.s32 $0x10  }
0x8: {  	s25 =	simm.s32 $0x0;
	[smem:$0x7FF] =	sst s3;
	s6 =	smul.u32 $0x280, s1  }
0x9: {  	s9 =	sand.u32 $0x1, s4;
	s29 =	sshll.u32 s1, $0x6;
	s30 =	smul.u32 $0x500, s1  }
0xa: {  	s14 =	sshll.u32 s1, $0x8;
	_ =	strace $0x80000047;
	s4 =	sshll.u32 s9, $0x4  }
0xb: {  	s8 =	ssub.s32 $0x2, s9;
	s13 =	sshll.u32 s9, $0x7;
	s31 =	sshll.u32 s9, $0xC  }
0xc: {  	s7 =	sshrl.u32 s6, $0x3;
	s10 =	sor.u32 s1, s4;
	s12 =	sshrl.u32 s8, $0x1  }
0xd: {  	s4 =	simm.s32 $0x4F;
	s15 =	sadd.s32 s6, s2;
	p0 =	slt.u32 s10, $0x4  }
0xe: {  	s5 =	sadd.s32 s7, s5;
	s12 =	ssub.s32 s8, s12;
	s28 =	sshll.u32 s10, $0x5  }
0xf: {  	s7 =	sor.u32 $0x1C02, s29;
	s10 =	sor.u32 s13, s30;
	s13 =	sor.u32 s14, s31  }
0x10: {  	s15 =	sshrl.u32 s15, $0x3;
	s4 =	simm.s32 @!p0 $0x4E;
	s5 =	sadd.s32 $0x1600, s5  }
0x11: {  	s6 =	sadd.s32 s0, s28;
	s16 =	sshrl.u32 s10, $0x3;
	s14 =	sor.u32 $0x8000, s13  }
0x12: {  	s12 =	smax.u32 s12, $0x1;
	s8 =	sadd.s32 $0x400, s6;
	s9 =	sadd.s32 $0x800, s6  }
0x13: {  	s10 =	sadd.s32 $0xC00, s6;
	s11 =	sadd.s32 s11, s16;
	s14 =	sshrl.u32 s14, $0x3  }
0x14: {  	v0 =	vimm.f32 $1.000000000e+00;
	s13 =	sshll.u32 s4, $0x8;
	s16 =	simm.s32 $0x2;
	s14 =	sadd.s32 s14, s0  }
.LBB2_1:
0x15: {  	[tilespmem:$0x400] =	vst v0  }
0x16: {  	[tilespmem:$0x410] =	vst v0  }
0x17: {  	[tilespmem:$0x420] =	vst v0  }
0x18: {  	[tilespmem:$0x430] =	vst v0  }
0x19: {  	[tilespmem:$0x440] =	vst v0  }
0x1a: {  	[tilespmem:$0x450] =	vst v0  }
0x1b: {  	[tilespmem:$0x460] =	vst v0  }
0x1c: {  	[tilespmem:$0x470] =	vst v0  }
0x1d: {  	[spmem:s15], [sflag:s7] =	dma.local [hbm:s5], $0x50  }
0x1e: {  	_ =	swait.ge [sflag:s16], $0x50  }
0x1f: {  	[sflag:s16] =	ssyncset.done $0x0  }
0x20: {  	[sflag:s16] =	ssyncadd.s32 $0xFFFFFFB0  }
0x21: {  	[bflag:$0x0] =	sbarrier.arrive $0xFFFF  }
0x22: {  	[tilespmem:s3], [sflag:$0x1] =	stream.linear.gather [hbm4b:s6+s3], $0x100, $0x38;
	[tilespmem:$0x700] =	vst v63  }
0x23: {  	_ = 	snop  }
0x24: {  	[tilespmem:s17], [sflag:$0x1] =	stream.linear.gather [hbm4b:s8+s3], $0x100, $0x38;
	[tilespmem:$0x700] =	vst v63  }
0x25: {  	_ = 	snop  }
0x26: {  	[tilespmem:s18], [sflag:$0x1] =	stream.linear.gather [hbm4b:s9+s3], $0x100, $0x38;
	[tilespmem:$0x700] =	vst v63  }
0x27: {  	_ = 	snop  }
0x28: {  	[tilespmem:s19], [sflag:$0x1] =	stream.linear.gather [hbm4b:s10+s3], $0x100, $0x38;
	[tilespmem:$0x700] =	vst v63  }
0x29: {  	_ =	swait.ge [sflag:s20], $0x100  }
0x2a: {  	s26 =	sand.u32 $0x300, s3;
	p1 =	sne.s32 s13, $0x100;
	[sflag:s20] =	ssyncset.done $0x0  }
.Ltmp0:
0x2b: {  	s0 =	sor.u32 $0x80, s26;
	[sflag:s20] =	ssyncadd.s32 $0xFFFFFF00;
	(pc) =	sbr.rel @!p1 .LBB2_3-.Ltmp0, $4  }
0x2c: {  	[spmem:s2] =	stream.indirect.scatter.add.f32 [tilespmem:s22], [sflag:$0x2], $0x1, s0, s21, $0xb8;
	[tilespmem:$0x700] =	vst v63  }
0x2d: {  	s28 =	simm.s32 $0x100;
	p0 =	sle.u32 s4, $0x4;
	_ =	swait.ge [sflag:s16], $0x80  }
0x2e: {  	s29 =	simm.s32 $0x5;
	s30 =	sadd.s32 $0x400, s14;
	[sflag:s16] =	ssyncset.done $0x0  }
0x2f: {  	s31 =	smov.u32 s14;
	s0 =	simm.s32 @!p0 $0x0;
	[sflag:s16] =	ssyncadd.s32 $0xFFFFFF80  }
.LBB2_2:
0x30: {  	[tilespmem:s26], [sflag:$0x1] =	stream.linear.gather @!p0 [hbm4b:s31+s0], $0x100, $0x38;
	[tilespmem:$0x700] =	vst v63  }
0x31: {  	s0 =	smov.u32 s28;
	s28 =	sadd.s32 $0x100, s28;
	_ =	swait.ge [sflag:s20], $0x100  }
0x32: {  	s26 =	sand.u32 $0x300, s0;
	p1 =	sne.s32 s13, s28;
	[sflag:s20] =	ssyncset.done $0x0  }
.Ltmp1:
0x33: {  	s0 =	sor.u32 $0x80, s26;
	[sflag:s20] =	ssyncadd.s32 $0xFFFFFF00;
	(pc) =	sbr.rel @p1 .LBB2_2-.Ltmp1, $4  }
0x34: {  	[spmem:s2] =	stream.indirect.scatter.add.f32 [tilespmem:s22], [sflag:$0x2], $0x1, s0, s21, $0xb8;
	[tilespmem:$0x700] =	vst v63  }
0x35: {  	s31 =	smov.u32 s30;
	_ =	swait.ge [sflag:s16], $0x80  }
0x36: {  	p0 =	sge.u32 s29, s4;
	s29 =	sadd.s32 $0x1, s29;
	[sflag:s16] =	ssyncset.done $0x0  }
0x37: {  	s30 =	sadd.s32 $0x400, s30;
	s0 =	simm.s32 @!p0 $0x0;
	[sflag:s16] =	ssyncadd.s32 $0xFFFFFF80  }
.LBB2_3:
0x38: {  	[tilespmem:s26], [sflag:$0x1] =	stream.linear.gather @!p0 [hbm4b:s31+s0], $0x100, $0x38;
	[tilespmem:$0x700] =	vst v63  }
0x39: {  	s25 =	sadd.s32 $0x1, s25  }
0x3a: {  	p0 =	sne.s32 s25, s12  }
.Ltmp2:
0x3b: {  	[bflag:$0x0] =	sbarrier.arrive $0xFFFF;
	(pc) =	sbr.rel @p0 .LBB2_1-.Ltmp2, $4  }
0x3c: {  	[hbm:s11@s23], [sflag:s7] =	dma.strided [spmem:s15@s24], $0x50, s20, $0x10   }
0x3d: {  	_ =	swait.ge [sflag:s16], $0x50  }
0x3e: {  	[sflag:s16] =	ssyncset.done $0x0  }
0x3f: {  	[sflag:s16] =	ssyncadd.s32 $0xFFFFFFB0  }
0x40: {  	_ =	sfence.sel $0x180000  }
0x41: {  	[bflag:$0x0] =	sbarrier.arrive $0xFFFF  }
0x42: {  	_ =	strace $0x90000047  }
0x43: {  	[bflag:$0x2] =	sbarrier.arrive $0xFFFF  }
0x44: {  	p0 =	sne.s32 s1, $0x0;
	s0 =	rddreg [dreg:$0x4]  }
0x45: {  	s0 =	sadd.s32 @!p0 $0x100000, s0  }
0x46: {  	[sflag:s0] =	ssyncadd.tile.s32 @!p0 $0x1;
	_ =	shalt  }
.Lfunc_end2:
_tile_overlayer_lowered:
.L_overlay_start_2:
0x47: {  	(tag) =	ssettag $0x2  }
0x48: {  	s0 =	rddreg [dreg:$0x0];
	s2 =	stileid.u32  }
0x49: {  	s1 =	rddreg [dreg:$0x1];
	p0 =	sne.s32 s2, $0x0  }
0x4a: {  	s3 =	rddreg [dreg:$0x2];
	[bflag:$0x3] =	sbarrier.arrive $0xFFFF;
	s2 =	simm.s32 @!p0 $0x1C02  }
0x4b: {  	[timem:s3], [sflag:s2] =	dma.local @!p0 [hbm:s0], s1  }
0x4c: {  	s0 =	simm.s32 @!p0 $0x2  }
0x4d: {  	_ =	swait.ge @!p0 [sflag:s0], s1  }
0x4e: {  	s1 =	ssub.s32 @!p0 $0x0, s1;
	[sflag:s0] =	ssyncset.done @!p0 $0x0  }
0x4f: {  	[sflag:s0] =	ssyncadd.s32 @!p0 s1  }
0x50: {  	[bflag:$0x3] =	sbarrier.arrive $0xFFFF  }
0x51: {  	_ =	shalt  }

// kernel: kernel.9.cloned.1.call-start
scs
__scs_entry_jumppad:
0x0: {  	(pc) =	sbr.rel $0x88, $3  }
0x1: {  	(tag) =	ssettag $0x0;
	lr =	simm.s32 $0x1  }
0x2: {  	[smem:$0x3F9D] =	sst lr;
	_ =	strace $0xD0000000  }
0x3: {  	_ = 	snop  }
0x4: {  	_ = 	snop  }
0x5: {  	_ = 	snop  }
0x6: {  	_ = 	snop  }
0x7: {  	_ = 	snop  }
__scs_overlays_trampoline_lowered:
0x8: {  	[smem:$0x3FAC] =	sst s0  }
0x9: {  	[smem:$0x3FAD] =	sst s1  }
0xa: {  	[smem:$0x3FAE] =	sst s2  }
0xb: {  	[smem:$0x3FAF] =	sst s3  }
0xc: {  	[smem:$0x3FB0] =	sst s4  }
0xd: {  	[smem:$0x3FB1] =	sst s5  }
0xe: {  	[smem:$0x3FB2] =	sst s6  }
0xf: {  	[smem:$0x3FB3] =	sst s7  }
0x10: {  	[smem:$0x3FB4] =	sst s8  }
0x11: {  	[smem:$0x3FB5] =	sst s9;
	s0 =	simm.s32 @!p0 $0x0  }
0x12: {  	s1 =	sld [smem:$0x3F9B];
	s0 =	simm.s32 @p0 $0x1  }
0x13: {  	[smem:$0x3FB6] =	sst s0;
	s0 =	simm.s32 @!p1 $0x0  }
0x14: {  	s2 =	sld [smem:$0x3F9A];
	s0 =	simm.s32 @p1 $0x1  }
0x15: {  	[smem:$0x3FB7] =	sst s0;
	s0 =	simm.s32 @!p2 $0x0  }
0x16: {  	s3 =	sld [smem:$0x3FDB];
	s0 =	simm.s32 @p2 $0x1  }
0x17: {  	s4 =	simm.s32 $0x1BF5;
	[smem:$0x3FB9] =	sst s0  }
0x18: {  	s0 =	sld [smem:$0x3F9C];
	_ =	swait.ge [sflag:s4], $0x0  }
0x19: {  	s7 =	sld [smem:$0x3F9D]  }
0x1a: {  	s8 =	sadd.s32 $0xFFFFE003, lr  }
0x1b: {  	s9 =	sadd.s32 $0xFFFFFEF7, lr;
	s5 =	simm.s32 $0xFFFFFFFF;
	p2 =	slt.u32 s8, $0xFFFFF086  }
0x1c: {  	p1 =	slt.u32 s9, $0xF7A;
	s5 =	simm.s32 @!p2 $0x0  }
0x1d: {  	s5 =	simm.s32 @p1 $0x1;
	p0 =	seq.s32 s7, s2  }
0x1e: {  	s7 =	smul.u32 @!p0 $0xF7A, s2;
	p2 =	seq.s32 @!p0 s5, $0x0  }
0x1f: {  	s9 =	smul.u32 $0xF7A, s1;
	s8 =	simm.s32 @!p0 $0x1BF5;
	p2 =	por !p2, p0  }
0x20: {  	[sflag:s8] =	ssyncset.s32 @!p0 $0xFFFFF086;
	s6 =	sadd.s32 @!p0 s3, s7;
	s7 =	simm.s32 @!p0 $0x108  }
0x21: {  	s3 =	sadd.s32 s3, s9;
	s6 =	sadd.s32 @!p0 $0x88, s6;
	s7 =	simm.s32 @p2 $0x1082  }
0x22: {  	[simem:s7], [sflag:s8] =	dma.local @!p0 [hbm:s6], $0xF7A  }
0x23: {  	s9 =	sor.u32 $0xD0000000, s2;
	s6 =	simm.s32 $0x108;
	_ =	swait.ge @!p0 [sflag:s8], $0x0  }
0x24: {  	s3 =	sadd.s32 $0x88, s3;
	s6 =	simm.s32 @!p1 $0x1082;
	[sflag:s4] =	ssyncset.s32 $0xFFFFF086  }
0x25: {  	[simem:s6], [sflag:s4] =	dma.local [hbm:s3], $0xF7A  }
0x26: {  	[smem:$0x3F9D] =	sst s1;
	(tag) =	ssettag s2;
	_ =	strace s9  }
0x27: {  	s1 =	sld [smem:$0x3FAD]  }
0x28: {  	s2 =	sld [smem:$0x3FAE]  }
0x29: {  	s4 =	sld [smem:$0x3FB0]  }
0x2a: {  	p0 =	seq.s32 s5, $0x0;
	s5 =	sld [smem:$0x3FB1]  }
0x2b: {  	s6 =	sld [smem:$0x3FB2]  }
0x2c: {  	s7 =	sld [smem:$0x3FB3]  }
0x2d: {  	s3 =	simm.s32 $0x108;
	s8 =	sld [smem:$0x3FB4]  }
0x2e: {  	s3 =	simm.s32 @!p0 $0x1082;
	s9 =	sld [smem:$0x3FB5]  }
0x2f: {  	lr =	sadd.s32 s0, s3;
	s0 =	sld [smem:$0x3FAC]  }
0x30: {  	s3 =	sld [smem:$0x3FAF]  }
0x31: {  	[smem:$0x3FB8] =	sst s10  }
0x32: {  	s10 =	sld [smem:$0x3FB6];
	_ =	sdelay $0x3  }
0x33: {  	p0 =	seq.s32 s10, $0x1;
	s10 =	sld [smem:$0x3FB8];
	_ =	sdelay $0x3  }
0x34: {  	[smem:$0x3FB8] =	sst s10  }
0x35: {  	s10 =	sld [smem:$0x3FB7];
	_ =	sdelay $0x3  }
0x36: {  	p1 =	seq.s32 s10, $0x1;
	s10 =	sld [smem:$0x3FB8];
	_ =	sdelay $0x3  }
0x37: {  	[smem:$0x3FB8] =	sst s10  }
0x38: {  	s10 =	sld [smem:$0x3FB9]  }
0x39: {  	_ = 	snop;
	(pc) =	sbr.ind lr, $3  }
0x3a: {  	_ = 	snop  }
0x3b: {  	_ = 	snop  }
0x3c: {  	p2 =	seq.s32 s10, $0x1;
	s10 =	sld [smem:$0x3FB8]  }
0x3d: {  	_ =	shalt  }
0x3e: {  	_ =	shalt  }
0x3f: {  	_ =	shalt  }
0x40: {  	_ =	shalt  }
0x41: {  	_ =	shalt  }
0x42: {  	_ =	shalt  }
0x43: {  	_ =	shalt  }
0x44: {  	_ =	shalt  }
0x45: {  	_ =	shalt  }
0x46: {  	_ =	shalt  }
0x47: {  	_ =	shalt  }
0x48: {  	_ =	shalt  }
0x49: {  	_ =	shalt  }
0x4a: {  	_ =	shalt  }
0x4b: {  	_ =	shalt  }
0x4c: {  	_ =	shalt  }
0x4d: {  	_ =	shalt  }
0x4e: {  	_ =	shalt  }
0x4f: {  	_ =	shalt  }
0x50: {  	_ =	shalt  }
0x51: {  	_ =	shalt  }
0x52: {  	_ =	shalt  }
0x53: {  	_ =	shalt  }
0x54: {  	_ =	shalt  }
0x55: {  	_ =	shalt  }
0x56: {  	_ =	shalt  }
0x57: {  	_ =	shalt  }
0x58: {  	_ =	shalt  }
0x59: {  	_ =	shalt  }
0x5a: {  	_ =	shalt  }
0x5b: {  	_ =	shalt  }
0x5c: {  	_ =	shalt  }
0x5d: {  	_ =	shalt  }
0x5e: {  	_ =	shalt  }
0x5f: {  	_ =	shalt  }
0x60: {  	_ =	shalt  }
0x61: {  	_ =	shalt  }
0x62: {  	_ =	shalt  }
0x63: {  	_ =	shalt  }
0x64: {  	_ =	shalt  }
0x65: {  	_ =	shalt  }
0x66: {  	_ =	shalt  }
0x67: {  	_ =	shalt  }
0x68: {  	_ =	shalt  }
0x69: {  	_ =	shalt  }
0x6a: {  	_ =	shalt  }
0x6b: {  	_ =	shalt  }
0x6c: {  	_ =	shalt  }
0x6d: {  	_ =	shalt  }
0x6e: {  	_ =	shalt  }
0x6f: {  	_ =	shalt  }
0x70: {  	_ =	shalt  }
0x71: {  	_ =	shalt  }
0x72: {  	_ =	shalt  }
0x73: {  	_ =	shalt  }
0x74: {  	_ =	shalt  }
0x75: {  	_ =	shalt  }
0x76: {  	_ =	shalt  }
0x77: {  	_ =	shalt  }
0x78: {  	_ =	shalt  }
0x79: {  	_ =	shalt  }
0x7a: {  	_ =	shalt  }
0x7b: {  	_ =	shalt  }
0x7c: {  	_ =	shalt  }
0x7d: {  	_ =	shalt  }
0x7e: {  	_ =	shalt  }
0x7f: {  	_ =	shalt  }
0x80: {  	_ =	shalt  }
0x81: {  	_ =	shalt  }
0x82: {  	_ =	shalt  }
0x83: {  	_ =	shalt  }
0x84: {  	_ =	shalt  }
0x85: {  	_ =	shalt  }
0x86: {  	_ =	shalt  }
0x87: {  	_ =	shalt  }
.Lfunc_end0:
.L_simem_size_0:
called_computation.1_lowered:
.L_overlay_start_0:
0x88: {  	s2 =	sld [smem:$0x3FD9]  }
0x89: {  	s3 =	sld [smem:$0x3FFE];
	_ =	sdelay $0x1  }
0x8a: {  	s1 =	srdreg.scid  }
0x8b: {  	s0 =	sand.u32 $0x1, s1  }
0x8c: {  	s17 =	sshll.u32 s0, $0xA;
	s2 =	sadd.s32 s3, s2  }
0x8d: {  	s2 =	sadd.s32 s2, s17  }
0x8e: {  	[smem:$0x3FC4] =	sst s2  }
0x8f: {  	_ = 	snop  }
0x90: {  	s2 =	sld [smem:$0x3FC8]  }
0x91: {  	s18 =	sld [smem:$0x3FD0];
	(tm) =	ssettm $0x1  }
0x92: {  	s4 =	sld [smem:$0x3FFB];
	_ =	sdelay $0x3  }
0x93: {  	_ =	strace s4  }
0x94: {  	s4 =	sld [smem:$0x3FFC];
	_ =	sdelay $0x3  }
0x95: {  	_ =	strace s4  }
0x96: {  	s4 =	sld [smem:$0x3FFD];
	_ =	sdelay $0x3  }
0x97: {  	_ =	strace s4  }
0x98: {  	_ =	strace $0x8FFFFFFF  }
0x99: {  	s19 =	sld [smem:$0x3FDB];
	_ =	sdelay $0x1  }
0x9a: {  	s5 =	simm.s32 $_scs_section_size  }
0x9b: {  	s6 =	simm.s32 $_size__tile_overlayer_lowered;
	s7 =	simm.s32 $_tile_overlayer_lowered  }
0x9c: {  	s22 =	simm.s32 $0x1BFF;
	s21 =	sshll.u32 s7, $0x1;
	s4 =	sadd.s32 s5, s19  }
0x9d: {  	s8 =	simm.s32 $0x0;
	s20 =	sshll.u32 s6, $0x1;
	s6 =	sadd.s32 s21, s4  }
0x9e: {  	[timem:s8], [sflag:s22] =	dma.local [hbm:s6], s20  }
0x9f: {  	_ =	swait.ge [sflag:s22], s20  }
0xa0: {  	s5 =	ssub.s32 $0x0, s20;
	[sflag:s22] =	ssyncset.done $0x0  }
0xa1: {  	[sflag:s22] =	ssyncadd.s32 s5;
	_ =	sdelay $0x1  }
0xa2: {  	s23 =	simm.s32 $0x1B8B  }
0xa3: {  	_ =	swait.ge [sflag:s23], $0x1  }
0xa4: {  	[sflag:s23] =	ssyncset.done $0x0  }
0xa5: {  	s25 =	simm.s32 $0x1B8E;
	s24 =	sld [smem:$0x3FFE];
	[sflag:s23] =	ssyncadd.s32 $0xFFFFFFFF  }
0xa6: {  	s26 =	simm.s32 $execute0_lowered;
	[smem:$0x3FD2] =	sst s25  }
0xa7: {  	s6 =	sshll.u32 s26, $0x1;
	_ =	strace $0x80000049;
	[dreg:$0x1] =	wrdreg $0xFFFFFFFF  }
0xa8: {  	s28 =	simm.s32 $_size_execute0_lowered;
	s4 =	sadd.s32 s4, s6;
	[dreg:$0x0] =	wrdreg $0x0  }
0xa9: {  	s6 =	sshll.u32 s28, $0x1;
	[dreg:$0x2] =	wrdreg s4  }
0xaa: {  	[dreg:$0x3] =	wrdreg s6  }
0xab: {  	[dreg:$0x4] =	wrdreg $0xC0  }
0xac: {  	_ =	task [dreg:s8], $0x5FFFF  }
0xad: {  	[dreg:$0x1] =	wrdreg $0xFFFFFFFF  }
0xae: {  	[dreg:$0x0] =	wrdreg $0x60  }
0xaf: {  	[dreg:$0x2] =	wrdreg s18  }
0xb0: {  	[dreg:$0x3] =	wrdreg s2  }
0xb1: {  	[dreg:$0x4] =	wrdreg s24  }
0xb2: {  	[dreg:$0x5] =	wrdreg $0x84000  }
0xb3: {  	[dreg:$0x6] =	wrdreg $0x9  }
0xb4: {  	_ =	task.clear_ibuf [dreg:s8], $0x7FFFF;
	_ =	strace $0x90000049  }
0xb5: {  	s29 =	simm.s32 $0x9;
	_ =	strace $0x8000004B  }
0xb6: {  	_ =	swait.ge [sflag:s29], $0x1  }
0xb7: {  	[sflag:s29] =	ssyncadd.s32 $0xFFFFFFFF  }
0xb8: {  	_ =	strace $0x9000004B  }
0xb9: {  	_ =	sfence  }
0xba: {  	s30 =	sld [smem:$0x0];
	_ =	sdelay $0x2  }
0xbb: {  	s31 =	sshll.u32 s1, $0xD;
	s1 =	sshrl.u32 s1, $0x2  }
0xbc: {  	s3 =	sand.u32 $0x4000, s31;
	s1 =	sadd.s32 s1, s30  }
0xbd: {  	s0 =	sor.u32 s3, s0;
	s1 =	sshll.u32 s1, $0x11  }
0xbe: {  	s0 =	sor.u32 s1, s0  }
0xbf: {  	s0 =	sadd.s32 $0x8F2B, s0  }
0xc0: {  	[sflag:s0] =	ssyncadd.remote.s32 $0x1  }
0xc1: {  	_ =	sfence.sel $0xFFFF  }
0xc2: {  	[dreg:$0x0] =	wrdreg $0xFFFFFFFF;
	(pc) =	sbr.abs _section_cstart, $3  }
0xc3: {  	[dreg:$0x1] =	wrdreg $0xFFFFFFFF  }
0xc4: {  	_ =	task.clear_ibuf [dreg:s8], $0x2FFFF;
	_ =	strace $0x9FFFFFFF  }
0xc5: {  	(tm) =	ssettm $0x7FFFFFFF  }
tec
execute0_lowered:
.L_overlay_start_1:
0x0: {  	(tag) =	ssettag $0x1  }
0x1: {  	s1 =	rddreg [dreg:$0x0]  }
0x2: {  	s0 =	rddreg [dreg:$0x1];
	s12 =	stileid.u32  }
0x3: {  	s2 =	srdreg.scid;
	s5 =	rddreg [dreg:$0x2]  }
0x4: {  	s3 =	rddreg [dreg:$0x3];
	s4 =	simm.s32 $0x0;
	s17 =	simm.s32 $0x4  }
0x5: {  	s18 =	simm.s32 $0x1;
	s19 =	simm.s32 $0x80;
	s20 =	simm.s32 $0x400  }
0x6: {  	s21 =	simm.s32 $0x100;
	s22 =	simm.s32 $0x2;
	s24 =	simm.s32 $0x200  }
0x7: {  	s25 =	simm.s32 $0x3;
	s6 =	smul.u32 $0x14000, s12;
	s2 =	sand.u32 $0x1, s2  }
0x8: {  	[smem:$0x7FF] =	sst s4;
	s9 =	smul.u32 $0x50000, s12;
	s30 =	sshll.u32 s12, $0x6  }
0x9: {  	s31 =	sshll.u32 s12, $0x8;
	s7 =	smul.u32 $0x140000, s2;
	_ =	strace $0x8000004A  }
0xa: {  	s26 =	sshll.u32 s2, $0x4;
	s28 =	ssub.s32 $0x2, s2;
	s2 =	sshll.u32 s2, $0xC  }
0xb: {  	s8 =	sor.u32 s12, s26;
	s11 =	sshrl.u32 s28, $0x1;
	s29 =	sshrl.u32 s9, $0x2  }
0xc: {  	s2 =	sor.u32 s31, s2;
	s26 =	simm.s32 $0x0;
	s7 =	sadd.s32 s6, s7  }
0xd: {  	s6 =	sshrl.u32 s6, $0x3;
	p0 =	slt.u32 s8, $0x4;
	s11 =	ssub.s32 s28, s11  }
0xe: {  	s16 =	sadd.s32 s29, s3;
	s8 =	sshll.u32 s8, $0x5;
	s13 =	sor.u32 $0x8000, s2  }
0xf: {  	s2 =	sor.u32 $0x6000, s2;
	s7 =	sshrl.u32 s7, $0x3;
	s6 =	sadd.s32 s6, s5  }
0x10: {  	s8 =	sadd.s32 s0, s8;
	s11 =	smax.u32 s11, $0x1;
	s13 =	sshrl.u32 s13, $0x3  }
0x11: {  	s2 =	sshrl.u32 s2, $0x3;
	s16 =	sshrl.u32 s16, $0x3;
	s10 =	sadd.s32 s7, s5  }
0x12: {  	s5 =	simm.s32 $0x4F;
	s6 =	sadd.s32 $0x1600, s6;
	s7 =	sor.u32 $0x1C04, s30  }
0x13: {  	s9 =	sadd.s32 $0x400, s8;
	s12 =	sadd.s32 $0x800, s8;
	s5 =	simm.s32 @!p0 $0x4E  }
0x14: {  	s13 =	sadd.s32 s13, s0;
	s15 =	sadd.s32 s2, s0;
	s14 =	sshll.u32 s5, $0xA  }
0x15: {  	s10 =	sadd.s32 $0x29600, s10;
	s13 =	sadd.s32 $0xFFFFFC00, s13;
	s14 =	sadd.s32 $0xFFFFF800, s14  }
.LBB2_1:
0x16: {  	[spmem:s16], [sflag:s7] =	dma.local [hbm:s6], $0x2800  }
0x17: {  	_ =	swait.ge [sflag:s17], $0x2800  }
0x18: {  	[sflag:s17] =	ssyncset.done $0x0  }
0x19: {  	[sflag:s17] =	ssyncadd.s32 $0xFFFFD800  }
0x1a: {  	[bflag:$0x0] =	sbarrier.arrive $0xFFFF  }
0x1b: {  	[tilespmem:s4], [sflag:$0x1] =	stream.linear.gather [hbm4b:s8+s4], $0x100, $0x38;
	[tilespmem:$0x1C400] =	vst v63  }
0x1c: {  	_ =	swait.ge [sflag:s18], $0x100  }
0x1d: {  	[sflag:s18] =	ssyncset.done $0x0  }
0x1e: {  	[sflag:s18] =	ssyncadd.s32 $0xFFFFFF00  }
0x1f: {  	[tilespmem:s20], [sflag:$0x2] =	stream.indirect.gather [hbm4b:s1+s19], $0x80, s4, s19, $0xb8;
	[tilespmem:$0x1C400] =	vst v63  }
0x20: {  	_ = 	snop  }
0x21: {  	[tilespmem:s21], [sflag:$0x1] =	stream.linear.gather [hbm4b:s9+s4], $0x100, $0x38;
	[tilespmem:$0x1C400] =	vst v63  }
0x22: {  	_ =	swait.ge [sflag:s22], $0x4000  }
0x23: {  	[sflag:s22] =	ssyncset.done $0x0  }
0x24: {  	[sflag:s22] =	ssyncadd.s32 $0xFFFFC000  }
0x25: {  	[spmem:s3] =	stream.indirect.scatter.add.f32 [tilespmem:s20], [sflag:$0x3], $0x80, s19, s19, $0xb8;
	[tilespmem:$0x1C400] =	vst v63  }
0x26: {  	_ =	swait.ge [sflag:s18], $0x100  }
0x27: {  	[sflag:s18] =	ssyncset.done $0x0  }
0x28: {  	s0 =	simm.s32 $0x4400;
	[sflag:s18] =	ssyncadd.s32 $0xFFFFFF00  }
0x29: {  	[tilespmem:s0], [sflag:$0x2] =	stream.indirect.gather [hbm4b:s1+s19], $0x80, s21, s19, $0xb8;
	[tilespmem:$0x1C400] =	vst v63  }
0x2a: {  	_ = 	snop  }
0x2b: {  	[tilespmem:s24], [sflag:$0x1] =	stream.linear.gather [hbm4b:s12+s4], $0x100, $0x38;
	[tilespmem:$0x1C400] =	vst v63  }
0x2c: {  	_ =	swait.ge [sflag:s22], $0x4000  }
0x2d: {  	s28 =	simm.s32 $0x400;
	[sflag:s22] =	ssyncset.done $0x0  }
0x2e: {  	s23 =	simm.s32 $0x1;
	p1 =	sne.s32 s14, $0x400;
	[sflag:s22] =	ssyncadd.s32 $0xFFFFC000  }
0x2f: {  	s2 =	sand.u32 $0xC00, s28;
	s0 =	sand.u32 $0x1, s23;
	_ =	swait.ge [sflag:s25], $0x4000  }
0x30: {  	s2 =	sshrl.u32 s2, $0x2;
	s0 =	sshll.u32 s0, $0xE;
	[sflag:s25] =	ssyncset.done $0x0  }
0x31: {  	s2 =	sor.u32 $0x80, s2;
	s23 =	sor.u32 $0x400, s0;
	[sflag:s25] =	ssyncadd.s32 $0xFFFFC000  }
0x32: {  	[spmem:s3] =	stream.indirect.scatter.add.f32 [tilespmem:s23], [sflag:$0x3], $0x80, s2, s19, $0xb8;
	[tilespmem:$0x1C400] =	vst v63  }
.Ltmp0:
0x33: {  	s29 =	simm.s32 $0x800;
	(pc) =	sbr.rel @!p1 .LBB2_3-.Ltmp0, $4  }
0x34: {  	p0 =	sle.u32 s5, $0x3;
	s30 =	simm.s32 $0x0;
	s23 =	sand.u32 $0xC00, s29  }
0x35: {  	s2 =	sxor.u32 $0x4400, s0;
	s0 =	simm.s32 @!p0 $0xC00;
	_ =	swait.ge [sflag:s18], $0x100  }
0x36: {  	s29 =	simm.s32 $0x4;
	s31 =	sshrl.u32 s23, $0x2;
	[sflag:s18] =	ssyncset.done $0x0  }
0x37: {  	s23 =	sand.u32 @!p0 $0xC00, s0;
	s0 =	simm.s32 @!p0 $0x0;
	[sflag:s18] =	ssyncadd.s32 $0xFFFFFF00  }
.LBB2_2:
0x38: {  	[tilespmem:s2], [sflag:$0x2] =	stream.indirect.gather [hbm4b:s1+s19], $0x80, s31, s19, $0xb8;
	[tilespmem:$0x1C400] =	vst v63  }
0x39: {  	s2 =	smov.u32 s28  }
0x3a: {  	s28 =	sadd.s32 $0x400, s28;
	s23 =	sshrl.u32 @!p0 s23, $0x2;
	s30 =	sadd.s32 @!p0 s30, s15  }
0x3b: {  	[tilespmem:s23], [sflag:$0x1] =	stream.linear.gather @!p0 [hbm4b:s30+s0], $0x100, $0x38;
	[tilespmem:$0x1C400] =	vst v63  }
0x3c: {  	p1 =	sne.s32 s14, s28;
	s30 =	smov.u32 s2;
	_ =	swait.ge [sflag:s22], $0x4000  }
0x3d: {  	s0 =	sadd.s32 $0xFFFFFFFE, s29;
	[sflag:s22] =	ssyncset.done $0x0  }
0x3e: {  	s2 =	sand.u32 $0xC00, s28;
	s0 =	sand.u32 $0x1, s0;
	[sflag:s22] =	ssyncadd.s32 $0xFFFFC000  }
0x3f: {  	s2 =	sshrl.u32 s2, $0x2;
	s0 =	sshll.u32 s0, $0xE;
	_ =	swait.ge [sflag:s25], $0x4000  }
0x40: {  	s2 =	sor.u32 $0x80, s2;
	s23 =	sor.u32 $0x400, s0;
	[sflag:s25] =	ssyncset.done $0x0  }
0x41: {  	s31 =	sadd.s32 $0x800, s30;
	[sflag:s25] =	ssyncadd.s32 $0xFFFFC000  }
0x42: {  	[spmem:s3] =	stream.indirect.scatter.add.f32 [tilespmem:s23], [sflag:$0x3], $0x80, s2, s19, $0xb8;
	[tilespmem:$0x1C400] =	vst v63  }
.Ltmp1:
0x43: {  	_ = 	snop;
	(pc) =	sbr.rel @p1 .LBB2_2-.Ltmp1, $4  }
0x44: {  	p0 =	sge.u32 s29, s5;
	s23 =	sand.u32 $0xC00, s31;
	_ =	swait.ge [sflag:s18], $0x100  }
0x45: {  	s2 =	sxor.u32 $0x4400, s0;
	s31 =	sshrl.u32 s23, $0x2;
	[sflag:s18] =	ssyncset.done $0x0  }
0x46: {  	s0 =	sadd.s32 @!p0 $0xC00, s30;
	[sflag:s18] =	ssyncadd.s32 $0xFFFFFF00  }
0x47: {  	s29 =	sadd.s32 $0x1, s29;
	s23 =	sand.u32 @!p0 $0xC00, s0;
	s0 =	simm.s32 @!p0 $0x0  }
.LBB2_3:
0x48: {  	[tilespmem:s2], [sflag:$0x2] =	stream.indirect.gather [hbm4b:s1+s19], $0x80, s31, s19, $0xb8;
	[tilespmem:$0x1C400] =	vst v63  }
0x49: {  	s2 =	sshrl.u32 @!p0 s23, $0x2;
	s23 =	sadd.s32 @!p0 s30, s15  }
0x4a: {  	[tilespmem:s2], [sflag:$0x1] =	stream.linear.gather @!p0 [hbm4b:s23+s0], $0x100, $0x38;
	[tilespmem:$0x1C400] =	vst v63  }
0x4b: {  	_ =	swait.ge [sflag:s22], $0x4000  }
0x4c: {  	[sflag:s22] =	ssyncset.done $0x0  }
0x4d: {  	s23 =	sadd.s32 $0xFFFFFFFE, s29;
	[sflag:s22] =	ssyncadd.s32 $0xFFFFC000  }
0x4e: {  	s0 =	sand.u32 $0x1, s23;
	_ =	swait.ge [sflag:s25], $0x4000  }
0x4f: {  	s30 =	sshll.u32 s0, $0xE;
	[sflag:s25] =	ssyncset.done $0x0  }
0x50: {  	s31 =	sadd.s32 $0x80, s31;
	s2 =	sor.u32 $0x400, s30;
	[sflag:s25] =	ssyncadd.s32 $0xFFFFC000  }
0x51: {  	[spmem:s3] =	stream.indirect.scatter.add.f32 [tilespmem:s2], [sflag:$0x3], $0x80, s31, s19, $0xb8;
	[tilespmem:$0x1C400] =	vst v63  }
0x52: {  	s2 =	simm.s32 @!p0 $0x1  }
0x53: {  	_ =	swait.ge @!p0 [sflag:s2], $0x100  }
0x54: {  	s23 =	sadd.s32 @!p0 $0x800, s28;
	[sflag:s2] =	ssyncset.done @!p0 $0x0  }
0x55: {  	s0 =	sshll.u32 @!p0 s0, $0xE;
	[sflag:s2] =	ssyncadd.s32 @!p0 $0xFFFFFF00;
	s2 =	sand.u32 @!p0 $0xC00, s23  }
0x56: {  	s0 =	sxor.u32 @!p0 $0x4400, s0;
	s23 =	simm.s32 @!p0 $0x80;
	s2 =	sshrl.u32 @!p0 s2, $0x2  }
0x57: {  	[tilespmem:s0], [sflag:$0x2] =	stream.indirect.gather @!p0 [hbm4b:s1+s23], $0x80, s2, s23, $0xb8;
	[tilespmem:$0x1C400] =	vst v63  }
0x58: {  	p0 =	sge.u32 s29, s5  }
0x59: {  	s0 =	sadd.s32 @!p0 $0xC00, s28  }
0x5a: {  	s0 =	sand.u32 @!p0 $0xC00, s0  }
0x5b: {  	s2 =	sadd.s32 @!p0 s28, s13;
	s23 =	simm.s32 @!p0 $0x0;
	s0 =	sshrl.u32 @!p0 s0, $0x2  }
0x5c: {  	[tilespmem:s0], [sflag:$0x1] =	stream.linear.gather @!p0 [hbm4b:s2+s23], $0x100, $0x38;
	[tilespmem:$0x1C400] =	vst v63  }
0x5d: {  	_ =	swait.ge [sflag:s25], $0x4000  }
0x5e: {  	s26 =	sadd.s32 $0x1, s26;
	[sflag:s25] =	ssyncset.done $0x0  }
0x5f: {  	p0 =	sne.s32 s26, s11;
	[sflag:s25] =	ssyncadd.s32 $0xFFFFC000  }
.Ltmp2:
0x60: {  	[bflag:$0x0] =	sbarrier.arrive $0xFFFF;
	(pc) =	sbr.rel @p0 .LBB2_1-.Ltmp2, $4  }
0x61: {  	[hbm:s10], [sflag:s7] =	dma.local [spmem:s16], $0x2800  }
0x62: {  	_ =	swait.ge [sflag:s17], $0x2800  }
0x63: {  	[sflag:s17] =	ssyncset.done $0x0  }
0x64: {  	[sflag:s17] =	ssyncadd.s32 $0xFFFFD800  }
0x65: {  	_ =	sfence.sel $0x180000  }
0x66: {  	[bflag:$0x0] =	sbarrier.arrive $0xFFFF  }
0x67: {  	_ =	strace $0x9000004A  }
0x68: {  	s0 =	stileid.u32;
	[bflag:$0x2] =	sbarrier.arrive $0xFFFF  }
0x69: {  	p0 =	sne.s32 s0, $0x0;
	s0 =	rddreg [dreg:$0x4]  }
0x6a: {  	s0 =	sadd.s32 @!p0 $0x100000, s0  }
0x6b: {  	[sflag:s0] =	ssyncadd.tile.s32 @!p0 $0x1;
	_ =	shalt  }
.Lfunc_end2:
_tile_overlayer_lowered:
.L_overlay_start_2:
0x6c: {  	(tag) =	ssettag $0x2  }
0x6d: {  	s0 =	rddreg [dreg:$0x0];
	s2 =	stileid.u32  }
0x6e: {  	s1 =	rddreg [dreg:$0x1];
	p0 =	sne.s32 s2, $0x0  }
0x6f: {  	s3 =	rddreg [dreg:$0x2];
	[bflag:$0x3] =	sbarrier.arrive $0xFFFF;
	s2 =	simm.s32 @!p0 $0x1C04  }
0x70: {  	[timem:s3], [sflag:s2] =	dma.local @!p0 [hbm:s0], s1  }
0x71: {  	s0 =	simm.s32 @!p0 $0x4  }
0x72: {  	_ =	swait.ge @!p0 [sflag:s0], s1  }
0x73: {  	s1 =	ssub.s32 @!p0 $0x0, s1;
	[sflag:s0] =	ssyncset.done @!p0 $0x0  }
0x74: {  	[sflag:s0] =	ssyncadd.s32 @!p0 s1  }
0x75: {  	[bflag:$0x3] =	sbarrier.arrive $0xFFFF  }
0x76: {  	_ =	shalt  }

</sc_bundles>
